<compile_context>
chip_gen: v7x
topology: tpu7x:2x2x1
jax: 0.10.2.dev20260603
libtpu: 0.0.44.dev20260713+nightly
codegen_flags: <defaults>
</compile_context>

<pallas_src>
import functools

import jax
import jax.numpy as jnp
from jax import lax
from jax.experimental import pallas as pl
from jax.experimental.pallas import tpu as pltpu
from jax.experimental.pallas import tpu_sc as plsc

EB = 512
NC, NS = 2, 16
NW = NC * NS


def _msg_body(raw, wmsg, bmsg, rhs_o):
    m = jax.nn.relu(
        jax.lax.dot(raw[...], wmsg[...], preferred_element_type=jnp.float32)
        + bmsg[0, :][None, :])
    E = m.shape[0]
    rhs_o[...] = jnp.concatenate(
        [m.astype(jnp.bfloat16), jnp.ones((E, 1), jnp.bfloat16),
         jnp.zeros((E, 15), jnp.bfloat16)], axis=1)


def _messages(raw_msg, W_msg, b_msg):
    E = raw_msg.shape[0]
    full = lambda shp: pl.BlockSpec(shp, lambda: (0,) * len(shp))
    return pl.pallas_call(
        _msg_body,
        in_specs=[full((E, raw_msg.shape[1])), full(W_msg.shape),
                  full((1, 16))],
        out_specs=full((E, 32)),
        out_shape=jax.ShapeDtypeStruct((E, 32), jnp.bfloat16),
    )(raw_msg, W_msg, b_msg.reshape(1, 16))


def _agg_body(idx_b, idx_f, t_f, rhs_f, mean_o, tmax_o):
    nblk = idx_f.shape[0]
    idx_i = idx_b[0, 0, :]
    acc = jnp.zeros((EB, 32), jnp.float32)
    tmax = jnp.full((EB,), -jnp.inf, jnp.float32)
    for j in range(nblk):
        idx_j = idx_f[j, :]
        t_j = t_f[j, :]
        rhs_j = rhs_f[j * EB:(j + 1) * EB, :]
        eq = idx_i[:, None] == idx_j[None, :]
        match_b = jnp.where(eq, 1.0, 0.0).astype(jnp.bfloat16)
        acc += jax.lax.dot(match_b, rhs_j, preferred_element_type=jnp.float32)
        tm = jnp.where(eq, t_j[None, :], -jnp.inf)
        tmax = jnp.maximum(tmax, jnp.max(tm, axis=1))
    counts = jnp.maximum(acc[:, 16:17], 1.0)
    mean_o[...] = acc[:, :16] / counts
    tmax_o[0, 0, :] = tmax


def _aggregate(idx, t, raw_msg, W_msg, b_msg):
    E = idx.shape[0]
    rhs = _messages(raw_msg, W_msg, b_msg)
    nblk = E // EB
    idx3 = idx.reshape(nblk, 1, EB)
    idx2 = idx.reshape(nblk, EB)
    t2 = t.reshape(nblk, EB)
    full = lambda shp: pl.BlockSpec(shp, lambda i: (0,) * len(shp))
    mean, tmax3 = pl.pallas_call(
        _agg_body,
        grid=(nblk,),
        in_specs=[
            pl.BlockSpec((1, 1, EB), lambda i: (i, 0, 0)),
            full((nblk, EB)),
            full((nblk, EB)),
            full((E, 32)),
        ],
        out_specs=[
            pl.BlockSpec((EB, 16), lambda i: (i, 0)),
            pl.BlockSpec((1, 1, EB), lambda i: (i, 0, 0)),
        ],
        out_shape=[
            jax.ShapeDtypeStruct((E, 16), jnp.float32),
            jax.ShapeDtypeStruct((nblk, 1, EB), jnp.float32),
        ],
        compiler_params=pltpu.CompilerParams(
            dimension_semantics=("parallel",)),
    )(idx3, idx2, t2, rhs)
    return mean, tmax3.reshape(E)


def _gru_body(m, old, wir, wiz, win, whr, whz, whn, bi, bh, out):
    dot = functools.partial(jax.lax.dot, preferred_element_type=jnp.float32)
    mv, ov = m[...], old[...]
    r = jax.nn.sigmoid(dot(mv, wir[...]) + bi[0, 0:16][None, :]
                       + dot(ov, whr[...]) + bh[0, 0:16][None, :])
    z = jax.nn.sigmoid(dot(mv, wiz[...]) + bi[0, 16:32][None, :]
                       + dot(ov, whz[...]) + bh[0, 16:32][None, :])
    n = jnp.tanh(dot(mv, win[...]) + bi[0, 32:48][None, :]
                 + r * (dot(ov, whn[...]) + bh[0, 32:48][None, :]))
    out[...] = (1.0 - z) * n + z * ov


def _gru(mean, old, W_i, W_h, b_i, b_h):
    E = mean.shape[0]
    nblk = E // EB
    full = lambda shp: pl.BlockSpec(shp, lambda i: (0,) * len(shp))
    row = pl.BlockSpec((EB, 16), lambda i: (i, 0))
    return pl.pallas_call(
        _gru_body,
        grid=(nblk,),
        in_specs=[row, row] + [full((16, 16))] * 6 + [full((1, 48))] * 2,
        out_specs=row,
        out_shape=jax.ShapeDtypeStruct((E, 16), jnp.float32),
        compiler_params=pltpu.CompilerParams(
            dimension_semantics=("parallel",)),
    )(mean, old,
      W_i[:, 0:16], W_i[:, 16:32], W_i[:, 32:48],
      W_h[:, 0:16], W_h[:, 16:32], W_h[:, 32:48],
      b_i.reshape(1, 48), b_h.reshape(1, 48))


def _sc_mesh():
    return plsc.VectorSubcoreMesh(
        core_axis_name="c", subcore_axis_name="s",
        num_cores=NC, num_subcores=NS)


_SC_PARAMS = pltpu.CompilerParams(use_tc_tiling_on_sc=False)


def _gather_rows(memory, idx):
    E = idx.shape[0]
    D = memory.shape[1]

    @functools.partial(
        pl.kernel, mesh=_sc_mesh(), compiler_params=_SC_PARAMS,
        out_type=jax.ShapeDtypeStruct((E, D), jnp.float32),
        scratch_types=[pltpu.VMEM((EB,), jnp.int32),
                       pltpu.VMEM((EB, D), jnp.float32),
                       pltpu.SemaphoreType.DMA])
    def gat(mem_hbm, idx_hbm, out_hbm, idx_v, rows_v, sem):
        wid = lax.axis_index("s") * NC + lax.axis_index("c")
        base = wid * EB
        pltpu.sync_copy(idx_hbm.at[pl.ds(base, EB)], idx_v)
        pltpu.async_copy(mem_hbm.at[idx_v], rows_v, sem).wait()
        pltpu.sync_copy(rows_v, out_hbm.at[pl.ds(base, EB)])

    return gat(memory, idx)


def _scatter_rows(mem_ref, lu_ref, new_mem, tmax, idx):
    E = idx.shape[0]
    D = new_mem.shape[1]

    @functools.partial(
        pl.kernel, mesh=_sc_mesh(), out_type=(), compiler_params=_SC_PARAMS,
        scratch_types=[pltpu.VMEM((EB,), jnp.int32),
                       pltpu.VMEM((EB, D), jnp.float32),
                       pltpu.VMEM((EB,), jnp.float32),
                       pltpu.SemaphoreType.DMA])
    def scat(mem_hbm, lu_hbm, new_hbm, tmax_hbm, idx_hbm,
             idx_v, rows_v, t_v, sem):
        wid = lax.axis_index("s") * NC + lax.axis_index("c")
        base = wid * EB
        pltpu.sync_copy(idx_hbm.at[pl.ds(base, EB)], idx_v)
        pltpu.async_copy(new_hbm.at[pl.ds(base, EB)], rows_v, sem).wait()
        pltpu.sync_copy(rows_v, mem_hbm.at[idx_v])
        pltpu.async_copy(tmax_hbm.at[pl.ds(base, EB)], t_v, sem).wait()
        pltpu.sync_copy(t_v, lu_hbm.at[idx_v])

    scat(mem_ref, lu_ref, new_mem, tmax, idx)


def kernel(memory, last_update, raw_msg, t, idx, W_msg, b_msg, W_i, W_h,
           b_i, b_h):
    mem_ref = jax.new_ref(memory)
    lu_ref = jax.new_ref(last_update)
    mean, tmax = _aggregate(idx, t, raw_msg, W_msg, b_msg)
    old = _gather_rows(memory, idx)
    new_mem = _gru(mean, old, W_i, W_h, b_i, b_h)
    _scatter_rows(mem_ref, lu_ref, new_mem, tmax, idx)
    return mem_ref[...], lu_ref[...]

# --- scband reference (transcript-rebuilt; emitter-appended) ---
"""Pipeline reference for scband-tipar-81527069212869 (READ-ONLY COPY).

The authoritative reference and input builder live on the scoring server;
editing this copy changes nothing except your own understanding.
"""

import jax, jax.numpy as jnp
import numpy as np

NUM_NODES = 1000000
MEM_DIM = 16
RAW_DIM = 32
NUM_MSG = 16384


def setup_inputs(seed: int = 0) -> dict:
    key = jax.random.key(seed)
    ks = jax.random.split(key, 8)
    memory = jax.random.normal(ks[0], (NUM_NODES, MEM_DIM), dtype=jnp.float32)
    last_update = jnp.zeros((NUM_NODES,), dtype=jnp.float32)
    raw_msg = jax.random.normal(ks[1], (NUM_MSG, RAW_DIM), dtype=jnp.float32)
    t = jax.random.uniform(ks[2], (NUM_MSG,), dtype=jnp.float32) * 1000.0
    idx = jax.random.randint(ks[3], (NUM_MSG,), 0, NUM_NODES, dtype=jnp.int32)
    W_msg = jax.random.normal(ks[4], (RAW_DIM, MEM_DIM), dtype=jnp.float32) * 0.05
    b_msg = jnp.zeros((MEM_DIM,), dtype=jnp.float32)
    W_i = jax.random.normal(ks[5], (MEM_DIM, 3 * MEM_DIM), dtype=jnp.float32) * 0.05
    W_h = jax.random.normal(ks[6], (MEM_DIM, 3 * MEM_DIM), dtype=jnp.float32) * 0.05
    b_i = jnp.zeros((3 * MEM_DIM,), dtype=jnp.float32)
    b_h = jnp.zeros((3 * MEM_DIM,), dtype=jnp.float32)
    return {"memory": memory, "last_update": last_update, "raw_msg": raw_msg,
            "t": t, "idx": idx, "W_msg": W_msg, "b_msg": b_msg,
            "W_i": W_i, "W_h": W_h, "b_i": b_i, "b_h": b_h}


def reference(memory, last_update, raw_msg, t, idx, W_msg, b_msg, W_i, W_h, b_i, b_h):
    """TIPAR _update_memory core: message fn -> mean aggregation per node ->
    scatter_max of timestamps -> GRU memory update -> scatter-overwrite memory."""
    num_nodes = memory.shape[0]
    # MessageFunction (MLP on raw messages)
    msg = jax.nn.relu(raw_msg @ W_msg + b_msg)
    # MessageAggregator: mean of messages per destination node
    ones = jnp.ones((msg.shape[0],), msg.dtype)
    counts = jax.ops.segment_sum(ones, idx, num_segments=num_nodes)
    agg = jax.ops.segment_sum(msg, idx, num_segments=num_nodes)
    mean_msg = agg / jnp.maximum(counts, 1.0)[:, None]
    # scatter_max of timestamps per node (ops.scatter_max in the original)
    t_max = jax.ops.segment_max(t, idx, num_segments=num_nodes)
    # gather aggregated message and old memory at the event node indices
    m_i = mean_msg[idx]
    old = memory[idx]
    # MemoryUpdater: GRU cell
    gi = m_i @ W_i + b_i
    gh = old @ W_h + b_h
    i_r, i_z, i_n = jnp.split(gi, 3, axis=-1)
    h_r, h_z, h_n = jnp.split(gh, 3, axis=-1)
    r = jax.nn.sigmoid(i_r + h_r)
    z = jax.nn.sigmoid(i_z + h_z)
    n = jnp.tanh(i_n + r * h_n)
    new_mem = (1.0 - z) * n + z * old
    # scatter-overwrite: self.graph.memory[idx] = (new_memory, t)
    mem_out = memory.at[idx].set(new_mem)
    lu_out = last_update.at[idx].set(t_max[idx])
    return mem_out, lu_out

if __name__ == "__main__":
    import jax
    _d = setup_inputs()
    print(jax.jit(kernel)(*tuple(_d.values())))

</pallas_src>

<mosaic_0001>
#map = affine_map<(d0, d1) -> (0, 0)>
#map1 = affine_map<(d0, d1) -> (0)>
module attributes {stable_mosaic.version = 14 : i64} {
  func.func @gat(%arg0: i32, %arg1: i32, %arg2: memref<1000000x16xf32, #tpu.memory_space<hbm>>, %arg3: memref<16384xi32, #tpu.memory_space<hbm>>, %arg4: memref<16384x16xf32, #tpu.memory_space<hbm>>, %arg5: memref<512xi32, #tpu.memory_space<vmem>>, %arg6: memref<512x16xf32, #tpu.memory_space<vmem>>, %arg7: memref<!tpu.dma_semaphore, #tpu.memory_space<semaphore_mem>>) attributes {dimension_semantics = [#tpu.dimension_semantics<core_parallel>, #tpu.dimension_semantics<subcore_parallel>], iteration_bounds = array<i64: 2, 16>, scalar_prefetch = 0 : i64, scratch_operands = 3 : i64, tpu.core_type = #tpu.core_type<sc_vector_subcore>, window_params = [{transform_indices = #map}, {transform_indices = #map1}, {transform_indices = #map}]} {
    %mul3A = arith.constant 2 : i32
    %mul3A_0 = arith.muli %arg1, %mul3A : i32
    %add3A = arith.addi %mul3A_0, %arg0 : i32
    %mul3A_1 = arith.constant 512 : i32
    %mul3A_2 = arith.muli %add3A, %mul3A_1 : i32
    "tpu.region"() ({
      %run_scoped3A = tpu.sem_alloc : memref<!tpu.dma_semaphore, #tpu.memory_space<semaphore_mem>>
      %dma_start3A_7 = tpu.memref_slice %arg3[%mul3A_2] : memref<16384xi32, #tpu.memory_space<hbm>> -> memref<512xi32, #tpu.memory_space<hbm>>
      %dma_start3A_8 = tpu.memref_slice %arg3[%mul3A_2] : memref<16384xi32, #tpu.memory_space<hbm>> -> memref<512xi32, #tpu.memory_space<hbm>>
      tpu.enqueue_dma source(%dma_start3A_8 : memref<512xi32, #tpu.memory_space<hbm>>) target(%arg5 : memref<512xi32, #tpu.memory_space<vmem>>) target_semaphore(%run_scoped3A : memref<!tpu.dma_semaphore, #tpu.memory_space<semaphore_mem>>)
      %dma_wait3A_9 = tpu.memref_slice %arg3[%mul3A_2] : memref<16384xi32, #tpu.memory_space<hbm>> -> memref<512xi32, #tpu.memory_space<hbm>>
      %dma_wait3A_10 = tpu.memref_slice %arg3[%mul3A_2] : memref<16384xi32, #tpu.memory_space<hbm>> -> memref<512xi32, #tpu.memory_space<hbm>>
      tpu.wait_dma2 semaphore(%run_scoped3A : memref<!tpu.dma_semaphore, #tpu.memory_space<semaphore_mem>>) src(%dma_wait3A_10 : memref<512xi32, #tpu.memory_space<hbm>>) dst(%arg5 : memref<512xi32, #tpu.memory_space<vmem>>)
      tpu.yield
    }) : () -> ()
    %dma_start3A = arith.constant 0 : i32
    %dma_start3A_3 = arith.constant 0 : i32
    %dma_start3A_4 = tpu.memref_slice %arg2[%dma_start3A, %dma_start3A_3] : memref<1000000x16xf32, #tpu.memory_space<hbm>> -> memref<1000000x16xf32, #tpu.memory_space<hbm>>
    tpu.enqueue_indirect_dma source(%dma_start3A_4 : memref<1000000x16xf32, #tpu.memory_space<hbm>>) target(%arg6 : memref<512x16xf32, #tpu.memory_space<vmem>>) offsets(%arg5 : memref<512xi32, #tpu.memory_space<vmem>>) semaphore(%arg7 : memref<!tpu.dma_semaphore, #tpu.memory_space<semaphore_mem>>)
    %dma_wait3A = arith.constant 0 : i32
    %dma_wait3A_5 = arith.constant 0 : i32
    %dma_wait3A_6 = tpu.memref_slice %arg2[%dma_wait3A, %dma_wait3A_5] : memref<1000000x16xf32, #tpu.memory_space<hbm>> -> memref<1000000x16xf32, #tpu.memory_space<hbm>>
    tpu.wait_indirect_dma semaphore(%arg7 : memref<!tpu.dma_semaphore, #tpu.memory_space<semaphore_mem>>) src(%dma_wait3A_6 : memref<1000000x16xf32, #tpu.memory_space<hbm>>) dst(%arg6 : memref<512x16xf32, #tpu.memory_space<vmem>>)
    "tpu.region"() ({
      %run_scoped3A = tpu.sem_alloc : memref<!tpu.dma_semaphore, #tpu.memory_space<semaphore_mem>>
      %dma_start3A_7 = arith.constant 0 : i32
      %dma_start3A_8 = tpu.memref_slice %arg4[%mul3A_2, %dma_start3A_7] : memref<16384x16xf32, #tpu.memory_space<hbm>> -> memref<512x16xf32, #tpu.memory_space<hbm>>
      %dma_start3A_9 = arith.constant 0 : i32
      %dma_start3A_10 = tpu.memref_slice %arg4[%mul3A_2, %dma_start3A_9] : memref<16384x16xf32, #tpu.memory_space<hbm>> -> memref<512x16xf32, #tpu.memory_space<hbm>>
      tpu.enqueue_dma source(%arg6 : memref<512x16xf32, #tpu.memory_space<vmem>>) target(%dma_start3A_10 : memref<512x16xf32, #tpu.memory_space<hbm>>) target_semaphore(%run_scoped3A : memref<!tpu.dma_semaphore, #tpu.memory_space<semaphore_mem>>)
      %dma_wait3A_11 = arith.constant 0 : i32
      %dma_wait3A_12 = tpu.memref_slice %arg4[%mul3A_2, %dma_wait3A_11] : memref<16384x16xf32, #tpu.memory_space<hbm>> -> memref<512x16xf32, #tpu.memory_space<hbm>>
      %dma_wait3A_13 = arith.constant 0 : i32
      %dma_wait3A_14 = tpu.memref_slice %arg4[%mul3A_2, %dma_wait3A_13] : memref<16384x16xf32, #tpu.memory_space<hbm>> -> memref<512x16xf32, #tpu.memory_space<hbm>>
      tpu.wait_dma2 semaphore(%run_scoped3A : memref<!tpu.dma_semaphore, #tpu.memory_space<semaphore_mem>>) src(%arg6 : memref<512x16xf32, #tpu.memory_space<vmem>>) dst(%dma_wait3A_14 : memref<512x16xf32, #tpu.memory_space<hbm>>)
      tpu.yield
    }) : () -> ()
    return
  }
}

#map = affine_map<(d0, d1) -> (0, 0)>
#map1 = affine_map<(d0, d1) -> (0)>
module attributes {stable_mosaic.version = 14 : i64} {
  func.func @new_body(%arg0: i32, %arg1: i32, %arg2: memref<1000000x16xf32, #tpu.memory_space<hbm>>, %arg3: memref<1000000xf32, #tpu.memory_space<hbm>>, %arg4: memref<16384x16xf32, #tpu.memory_space<hbm>>, %arg5: memref<16384xf32, #tpu.memory_space<hbm>>, %arg6: memref<16384xi32, #tpu.memory_space<hbm>>, %arg7: memref<1000000x16xf32, #tpu.memory_space<hbm>>, %arg8: memref<1000000xf32, #tpu.memory_space<hbm>>, %arg9: memref<512xi32, #tpu.memory_space<vmem>>, %arg10: memref<512x16xf32, #tpu.memory_space<vmem>>, %arg11: memref<512xf32, #tpu.memory_space<vmem>>, %arg12: memref<!tpu.dma_semaphore, #tpu.memory_space<semaphore_mem>>) attributes {dimension_semantics = [#tpu.dimension_semantics<core_parallel>, #tpu.dimension_semantics<subcore_parallel>], iteration_bounds = array<i64: 2, 16>, scalar_prefetch = 0 : i64, scratch_operands = 4 : i64, tpu.core_type = #tpu.core_type<sc_vector_subcore>, window_params = [{transform_indices = #map}, {transform_indices = #map1}, {transform_indices = #map}, {transform_indices = #map1}, {transform_indices = #map1}, {transform_indices = #map}, {transform_indices = #map1}]} {
    %mul3A = arith.constant 2 : i32
    %mul3A_0 = arith.muli %arg1, %mul3A : i32
    %add3A = arith.addi %mul3A_0, %arg0 : i32
    %mul3A_1 = arith.constant 512 : i32
    %mul3A_2 = arith.muli %add3A, %mul3A_1 : i32
    "tpu.region"() ({
      %run_scoped3A = tpu.sem_alloc : memref<!tpu.dma_semaphore, #tpu.memory_space<semaphore_mem>>
      %dma_start3A_13 = tpu.memref_slice %arg6[%mul3A_2] : memref<16384xi32, #tpu.memory_space<hbm>> -> memref<512xi32, #tpu.memory_space<hbm>>
      %dma_start3A_14 = tpu.memref_slice %arg6[%mul3A_2] : memref<16384xi32, #tpu.memory_space<hbm>> -> memref<512xi32, #tpu.memory_space<hbm>>
      tpu.enqueue_dma source(%dma_start3A_14 : memref<512xi32, #tpu.memory_space<hbm>>) target(%arg9 : memref<512xi32, #tpu.memory_space<vmem>>) target_semaphore(%run_scoped3A : memref<!tpu.dma_semaphore, #tpu.memory_space<semaphore_mem>>)
      %dma_wait3A_15 = tpu.memref_slice %arg6[%mul3A_2] : memref<16384xi32, #tpu.memory_space<hbm>> -> memref<512xi32, #tpu.memory_space<hbm>>
      %dma_wait3A_16 = tpu.memref_slice %arg6[%mul3A_2] : memref<16384xi32, #tpu.memory_space<hbm>> -> memref<512xi32, #tpu.memory_space<hbm>>
      tpu.wait_dma2 semaphore(%run_scoped3A : memref<!tpu.dma_semaphore, #tpu.memory_space<semaphore_mem>>) src(%dma_wait3A_16 : memref<512xi32, #tpu.memory_space<hbm>>) dst(%arg9 : memref<512xi32, #tpu.memory_space<vmem>>)
      tpu.yield
    }) : () -> ()
    %dma_start3A = arith.constant 0 : i32
    %dma_start3A_3 = tpu.memref_slice %arg4[%mul3A_2, %dma_start3A] : memref<16384x16xf32, #tpu.memory_space<hbm>> -> memref<512x16xf32, #tpu.memory_space<hbm>>
    %dma_start3A_4 = arith.constant 0 : i32
    %dma_start3A_5 = tpu.memref_slice %arg4[%mul3A_2, %dma_start3A_4] : memref<16384x16xf32, #tpu.memory_space<hbm>> -> memref<512x16xf32, #tpu.memory_space<hbm>>
    tpu.enqueue_dma source(%dma_start3A_5 : memref<512x16xf32, #tpu.memory_space<hbm>>) target(%arg10 : memref<512x16xf32, #tpu.memory_space<vmem>>) target_semaphore(%arg12 : memref<!tpu.dma_semaphore, #tpu.memory_space<semaphore_mem>>)
    %dma_wait3A = arith.constant 0 : i32
    %dma_wait3A_6 = tpu.memref_slice %arg4[%mul3A_2, %dma_wait3A] : memref<16384x16xf32, #tpu.memory_space<hbm>> -> memref<512x16xf32, #tpu.memory_space<hbm>>
    %dma_wait3A_7 = arith.constant 0 : i32
    %dma_wait3A_8 = tpu.memref_slice %arg4[%mul3A_2, %dma_wait3A_7] : memref<16384x16xf32, #tpu.memory_space<hbm>> -> memref<512x16xf32, #tpu.memory_space<hbm>>
    tpu.wait_dma2 semaphore(%arg12 : memref<!tpu.dma_semaphore, #tpu.memory_space<semaphore_mem>>) src(%dma_wait3A_8 : memref<512x16xf32, #tpu.memory_space<hbm>>) dst(%arg10 : memref<512x16xf32, #tpu.memory_space<vmem>>)
    "tpu.region"() ({
      %run_scoped3A = tpu.sem_alloc : memref<!tpu.dma_semaphore, #tpu.memory_space<semaphore_mem>>
      %dma_start3A_13 = arith.constant 0 : i32
      %dma_start3A_14 = arith.constant 0 : i32
      %dma_start3A_15 = tpu.memref_slice %arg2[%dma_start3A_13, %dma_start3A_14] : memref<1000000x16xf32, #tpu.memory_space<hbm>> -> memref<1000000x16xf32, #tpu.memory_space<hbm>>
      tpu.enqueue_indirect_dma source(%arg10 : memref<512x16xf32, #tpu.memory_space<vmem>>) target(%dma_start3A_15 : memref<1000000x16xf32, #tpu.memory_space<hbm>>) offsets(%arg9 : memref<512xi32, #tpu.memory_space<vmem>>) semaphore(%run_scoped3A : memref<!tpu.dma_semaphore, #tpu.memory_space<semaphore_mem>>)
      %dma_wait3A_16 = arith.constant 0 : i32
      %dma_wait3A_17 = arith.constant 0 : i32
      %dma_wait3A_18 = tpu.memref_slice %arg2[%dma_wait3A_16, %dma_wait3A_17] : memref<1000000x16xf32, #tpu.memory_space<hbm>> -> memref<1000000x16xf32, #tpu.memory_space<hbm>>
      tpu.wait_indirect_dma semaphore(%run_scoped3A : memref<!tpu.dma_semaphore, #tpu.memory_space<semaphore_mem>>) src(%arg10 : memref<512x16xf32, #tpu.memory_space<vmem>>) dst(%dma_wait3A_18 : memref<1000000x16xf32, #tpu.memory_space<hbm>>)
      tpu.yield
    }) : () -> ()
    %dma_start3A_9 = tpu.memref_slice %arg5[%mul3A_2] : memref<16384xf32, #tpu.memory_space<hbm>> -> memref<512xf32, #tpu.memory_space<hbm>>
    %dma_start3A_10 = tpu.memref_slice %arg5[%mul3A_2] : memref<16384xf32, #tpu.memory_space<hbm>> -> memref<512xf32, #tpu.memory_space<hbm>>
    tpu.enqueue_dma source(%dma_start3A_10 : memref<512xf32, #tpu.memory_space<hbm>>) target(%arg11 : memref<512xf32, #tpu.memory_space<vmem>>) target_semaphore(%arg12 : memref<!tpu.dma_semaphore, #tpu.memory_space<semaphore_mem>>)
    %dma_wait3A_11 = tpu.memref_slice %arg5[%mul3A_2] : memref<16384xf32, #tpu.memory_space<hbm>> -> memref<512xf32, #tpu.memory_space<hbm>>
    %dma_wait3A_12 = tpu.memref_slice %arg5[%mul3A_2] : memref<16384xf32, #tpu.memory_space<hbm>> -> memref<512xf32, #tpu.memory_space<hbm>>
    tpu.wait_dma2 semaphore(%arg12 : memref<!tpu.dma_semaphore, #tpu.memory_space<semaphore_mem>>) src(%dma_wait3A_12 : memref<512xf32, #tpu.memory_space<hbm>>) dst(%arg11 : memref<512xf32, #tpu.memory_space<vmem>>)
    "tpu.region"() ({
      %run_scoped3A = tpu.sem_alloc : memref<!tpu.dma_semaphore, #tpu.memory_space<semaphore_mem>>
      %dma_start3A_13 = arith.constant 0 : i32
      %dma_start3A_14 = tpu.memref_slice %arg3[%dma_start3A_13] : memref<1000000xf32, #tpu.memory_space<hbm>> -> memref<1000000xf32, #tpu.memory_space<hbm>>
      tpu.enqueue_indirect_dma source(%arg11 : memref<512xf32, #tpu.memory_space<vmem>>) target(%dma_start3A_14 : memref<1000000xf32, #tpu.memory_space<hbm>>) offsets(%arg9 : memref<512xi32, #tpu.memory_space<vmem>>) semaphore(%run_scoped3A : memref<!tpu.dma_semaphore, #tpu.memory_space<semaphore_mem>>)
      %dma_wait3A_15 = arith.constant 0 : i32
      %dma_wait3A_16 = tpu.memref_slice %arg3[%dma_wait3A_15] : memref<1000000xf32, #tpu.memory_space<hbm>> -> memref<1000000xf32, #tpu.memory_space<hbm>>
      tpu.wait_indirect_dma semaphore(%run_scoped3A : memref<!tpu.dma_semaphore, #tpu.memory_space<semaphore_mem>>) src(%arg11 : memref<512xf32, #tpu.memory_space<vmem>>) dst(%dma_wait3A_16 : memref<1000000xf32, #tpu.memory_space<hbm>>)
      tpu.yield
    }) : () -> ()
    return
  }
}

module attributes {stable_mosaic.version = 14 : i64} {
  func.func @_msg_body(%arg0: memref<16384x32xf32, #tpu.memory_space<vmem>>, %arg1: memref<32x16xf32, #tpu.memory_space<vmem>>, %arg2: memref<1x16xf32, #tpu.memory_space<vmem>>, %arg3: memref<16384x32xbf16, #tpu.memory_space<vmem>>) attributes {dimension_semantics = [], scalar_prefetch = 0 : i64, scratch_operands = 0 : i64, tpu.core_type = #tpu.core_type<tc>} {
    %get3A = arith.constant 0 : index
    %get3A_0 = arith.constant 0 : index
    %get3A_1 = vector.load %arg0[%get3A, %get3A_0] : memref<16384x32xf32, #tpu.memory_space<vmem>>, vector<16384x32xf32>
    %get3A_2 = arith.constant 0 : index
    %get3A_3 = arith.constant 0 : index
    %get3A_4 = vector.load %arg1[%get3A_2, %get3A_3] : memref<32x16xf32, #tpu.memory_space<vmem>>, vector<32x16xf32>
    %dot_general3A = arith.constant dense<0.000000e+00> : vector<16384x16xf32>
    %dot_general3A_5 = tpu.matmul %get3A_1, %get3A_4, %dot_general3A {dimension_numbers = #tpu.dot_dimension_numbers<[1], [0], [0], [1], [0, 0, 1, 1], [], []>, transpose_lhs_hint = false} : vector<16384x32xf32>, vector<32x16xf32>, vector<16384x16xf32> -> vector<16384x16xf32>
    %get3A_6 = arith.constant 0 : index
    %get3A_7 = arith.constant 0 : index
    %get3A_8 = vector.load %arg2[%get3A_6, %get3A_7] : memref<1x16xf32, #tpu.memory_space<vmem>>, vector<1x16xf32>
    %get3A_9 = vector.shape_cast %get3A_8 : vector<1x16xf32> to vector<16xf32>
    %broadcast_in_dim3A = vector.shape_cast %get3A_9 : vector<16xf32> to vector<1x16xf32>
    %add3A = vector.broadcast %broadcast_in_dim3A : vector<1x16xf32> to vector<16384x16xf32>
    %add3A_10 = arith.addf %dot_general3A_5, %add3A : vector<16384x16xf32>
    %max3A = arith.constant 0.000000e+00 : f32
    %max3A_11 = vector.broadcast %max3A : f32 to vector<16384x16xf32>
    %max3A_12 = arith.maximumf %add3A_10, %max3A_11 : vector<16384x16xf32>
    %convert_element_type3A = arith.truncf %max3A_12 : vector<16384x16xf32> to vector<16384x16xbf16>
    %broadcast_in_dim3A_13 = arith.constant 1.000000e+00 : bf16
    %broadcast_in_dim3A_14 = vector.broadcast %broadcast_in_dim3A_13 : bf16 to vector<16384x1xbf16>
    %broadcast_in_dim3A_15 = arith.constant 0.000000e+00 : bf16
    %broadcast_in_dim3A_16 = vector.broadcast %broadcast_in_dim3A_15 : bf16 to vector<16384x15xbf16>
    %concatenate3A = tpu.concatenate %convert_element_type3A, %broadcast_in_dim3A_14, %broadcast_in_dim3A_16 in 1 : vector<16384x16xbf16>, vector<16384x1xbf16>, vector<16384x15xbf16> -> vector<16384x32xbf16>
    %swap3A = arith.constant 0 : index
    %swap3A_17 = arith.constant 0 : index
    %swap3A_18 = vector.load %arg3[%swap3A, %swap3A_17] : memref<16384x32xbf16, #tpu.memory_space<vmem>>, vector<16384x32xbf16>
    tpu.vector_store %arg3[%swap3A, %swap3A_17], %concatenate3A {strides = array<i32>} : memref<16384x32xbf16, #tpu.memory_space<vmem>>, vector<16384x32xbf16>,
    return
  }
}

module attributes {stable_mosaic.version = 14 : i64} {
  func.func @_agg_body(%arg0: i32, %arg1: memref<1x1x512xi32, #tpu.memory_space<vmem>>, %arg2: memref<32x512xi32, #tpu.memory_space<vmem>>, %arg3: memref<32x512xf32, #tpu.memory_space<vmem>>, %arg4: memref<16384x32xbf16, #tpu.memory_space<vmem>>, %arg5: memref<512x16xf32, #tpu.memory_space<vmem>>, %arg6: memref<1x1x512xf32, #tpu.memory_space<vmem>>) attributes {dimension_semantics = [#tpu.dimension_semantics<parallel>], iteration_bounds = array<i64: 32>, scalar_prefetch = 0 : i64, scratch_operands = 0 : i64, tpu.core_type = #tpu.core_type<tc>, window_params = [{transform_indices = @transform_0, window_bounds = array<i64: 1, 1, 512>}, {pipeline_mode = #tpu.pipeline_mode<synchronous>, transform_indices = @transform_1, window_bounds = array<i64: 32, 512>}, {pipeline_mode = #tpu.pipeline_mode<synchronous>, transform_indices = @transform_2, window_bounds = array<i64: 32, 512>}, {pipeline_mode = #tpu.pipeline_mode<synchronous>, transform_indices = @transform_3, window_bounds = array<i64: 16384, 32>}, {transform_indices = @transform_4, window_bounds = array<i64: 512, 16>}, {transform_indices = @transform_5, window_bounds = array<i64: 1, 1, 512>}]} {
    %get3A = arith.constant 0 : index
    %get3A_0 = arith.constant 0 : index
    %get3A_1 = arith.constant 0 : index
    %get3A_2 = vector.load %arg1[%get3A, %get3A_0, %get3A_1] : memref<1x1x512xi32, #tpu.memory_space<vmem>>, vector<1x1x512xi32>
    %get3A_3 = vector.shape_cast %get3A_2 : vector<1x1x512xi32> to vector<512xi32>
    %broadcast_in_dim3A = arith.constant 0.000000e+00 : f32
    %broadcast_in_dim3A_4 = vector.broadcast %broadcast_in_dim3A : f32 to vector<512x32xf32>
    %broadcast_in_dim3A_5 = arith.constant 0xFF800000 : f32
    %broadcast_in_dim3A_6 = vector.broadcast %broadcast_in_dim3A_5 : f32 to vector<512xf32>
    %get3A_7 = arith.constant 0 : index
    %get3A_8 = arith.constant 0 : index
    %get3A_9 = vector.load %arg2[%get3A_7, %get3A_8] : memref<32x512xi32, #tpu.memory_space<vmem>>, vector<1x512xi32>
    %get3A_10 = vector.shape_cast %get3A_9 : vector<1x512xi32> to vector<512xi32>
    %get3A_11 = arith.constant 0 : index
    %get3A_12 = arith.constant 0 : index
    %get3A_13 = vector.load %arg3[%get3A_11, %get3A_12] : memref<32x512xf32, #tpu.memory_space<vmem>>, vector<1x512xf32>
    %get3A_14 = vector.shape_cast %get3A_13 : vector<1x512xf32> to vector<512xf32>
    %get3A_15 = arith.constant 0 : index
    %get3A_16 = arith.constant 0 : index
    %get3A_17 = vector.load %arg4[%get3A_15, %get3A_16] : memref<16384x32xbf16, #tpu.memory_space<vmem>>, vector<512x32xbf16>
    %broadcast_in_dim3A_18 = vector.shape_cast %get3A_3 : vector<512xi32> to vector<512x1xi32>
    %broadcast_in_dim3A_19 = vector.shape_cast %get3A_10 : vector<512xi32> to vector<1x512xi32>
    %eq3A = vector.broadcast %broadcast_in_dim3A_18 : vector<512x1xi32> to vector<512x512xi32>
    %eq3A_20 = vector.broadcast %broadcast_in_dim3A_19 : vector<1x512xi32> to vector<512x512xi32>
    %eq3A_21 = arith.cmpi eq, %eq3A, %eq3A_20 : vector<512x512xi32>
    %jit3A = arith.constant 1.000000e+00 : f32
    %jit3A_22 = arith.constant 0.000000e+00 : f32
    %broadcast_in_dim3A_23 = vector.broadcast %jit3A : f32 to vector<512x512xf32>
    %broadcast_in_dim3A_24 = vector.broadcast %jit3A_22 : f32 to vector<512x512xf32>
    %select_n3A = arith.select %eq3A_21, %broadcast_in_dim3A_23, %broadcast_in_dim3A_24 : vector<512x512xi1>, vector<512x512xf32>
    %convert_element_type3A = arith.truncf %select_n3A : vector<512x512xf32> to vector<512x512xbf16>
    %dot_general3A = arith.constant dense<0.000000e+00> : vector<512x32xf32>
    %dot_general3A_25 = tpu.matmul %convert_element_type3A, %get3A_17, %dot_general3A {dimension_numbers = #tpu.dot_dimension_numbers<[1], [0], [0], [1], [0, 0, 1, 1], [], []>, transpose_lhs_hint = false} : vector<512x512xbf16>, vector<512x32xbf16>, vector<512x32xf32> -> vector<512x32xf32>
    %add3A = arith.addf %broadcast_in_dim3A_4, %dot_general3A_25 : vector<512x32xf32>
    %broadcast_in_dim3A_26 = vector.shape_cast %get3A_14 : vector<512xf32> to vector<1x512xf32>
    %jit3A_27 = arith.constant 0xFF800000 : f32
    %broadcast_in_dim3A_28 = vector.shape_cast %broadcast_in_dim3A_26 : vector<1x512xf32> to vector<1x512xf32>
    %broadcast_in_dim3A_29 = vector.broadcast %broadcast_in_dim3A_28 : vector<1x512xf32> to vector<512x512xf32>
    %broadcast_in_dim3A_30 = vector.broadcast %jit3A_27 : f32 to vector<512x512xf32>
    %select_n3A_31 = arith.select %eq3A_21, %broadcast_in_dim3A_29, %broadcast_in_dim3A_30 : vector<512x512xi1>, vector<512x512xf32>
    %reduce_max3A = arith.constant dense<0xFF800000> : vector<512xf32>
    %reduce_max3A_32 = vector.multi_reduction <maximumf>, %select_n3A_31, %reduce_max3A [1] : vector<512x512xf32> to vector<512xf32>
    %max3A = arith.maximumf %broadcast_in_dim3A_6, %reduce_max3A_32 : vector<512xf32>
    %get3A_33 = arith.constant 1 : index
    %get3A_34 = arith.constant 0 : index
    %get3A_35 = vector.load %arg2[%get3A_33, %get3A_34] : memref<32x512xi32, #tpu.memory_space<vmem>>, vector<1x512xi32>
    %get3A_36 = vector.shape_cast %get3A_35 : vector<1x512xi32> to vector<512xi32>
    %get3A_37 = arith.constant 1 : index
    %get3A_38 = arith.constant 0 : index
    %get3A_39 = vector.load %arg3[%get3A_37, %get3A_38] : memref<32x512xf32, #tpu.memory_space<vmem>>, vector<1x512xf32>
    %get3A_40 = vector.shape_cast %get3A_39 : vector<1x512xf32> to vector<512xf32>
    %get3A_41 = arith.constant 512 : index
    %get3A_42 = arith.constant 0 : index
    %get3A_43 = vector.load %arg4[%get3A_41, %get3A_42] : memref<16384x32xbf16, #tpu.memory_space<vmem>>, vector<512x32xbf16>
    %broadcast_in_dim3A_44 = vector.shape_cast %get3A_3 : vector<512xi32> to vector<512x1xi32>
    %broadcast_in_dim3A_45 = vector.shape_cast %get3A_36 : vector<512xi32> to vector<1x512xi32>
    %eq3A_46 = vector.broadcast %broadcast_in_dim3A_44 : vector<512x1xi32> to vector<512x512xi32>
    %eq3A_47 = vector.broadcast %broadcast_in_dim3A_45 : vector<1x512xi32> to vector<512x512xi32>
    %eq3A_48 = arith.cmpi eq, %eq3A_46, %eq3A_47 : vector<512x512xi32>
    %jit3A_49 = arith.constant 1.000000e+00 : f32
    %jit3A_50 = arith.constant 0.000000e+00 : f32
    %broadcast_in_dim3A_51 = vector.broadcast %jit3A_49 : f32 to vector<512x512xf32>
    %broadcast_in_dim3A_52 = vector.broadcast %jit3A_50 : f32 to vector<512x512xf32>
    %select_n3A_53 = arith.select %eq3A_48, %broadcast_in_dim3A_51, %broadcast_in_dim3A_52 : vector<512x512xi1>, vector<512x512xf32>
    %convert_element_type3A_54 = arith.truncf %select_n3A_53 : vector<512x512xf32> to vector<512x512xbf16>
    %dot_general3A_55 = arith.constant dense<0.000000e+00> : vector<512x32xf32>
    %dot_general3A_56 = tpu.matmul %convert_element_type3A_54, %get3A_43, %dot_general3A_55 {dimension_numbers = #tpu.dot_dimension_numbers<[1], [0], [0], [1], [0, 0, 1, 1], [], []>, transpose_lhs_hint = false} : vector<512x512xbf16>, vector<512x32xbf16>, vector<512x32xf32> -> vector<512x32xf32>
    %add3A_57 = arith.addf %add3A, %dot_general3A_56 : vector<512x32xf32>
    %broadcast_in_dim3A_58 = vector.shape_cast %get3A_40 : vector<512xf32> to vector<1x512xf32>
    %jit3A_59 = arith.constant 0xFF800000 : f32
    %broadcast_in_dim3A_60 = vector.shape_cast %broadcast_in_dim3A_58 : vector<1x512xf32> to vector<1x512xf32>
    %broadcast_in_dim3A_61 = vector.broadcast %broadcast_in_dim3A_60 : vector<1x512xf32> to vector<512x512xf32>
    %broadcast_in_dim3A_62 = vector.broadcast %jit3A_59 : f32 to vector<512x512xf32>
    %select_n3A_63 = arith.select %eq3A_48, %broadcast_in_dim3A_61, %broadcast_in_dim3A_62 : vector<512x512xi1>, vector<512x512xf32>
    %reduce_max3A_64 = arith.constant dense<0xFF800000> : vector<512xf32>
    %reduce_max3A_65 = vector.multi_reduction <maximumf>, %select_n3A_63, %reduce_max3A_64 [1] : vector<512x512xf32> to vector<512xf32>
    %max3A_66 = arith.maximumf %max3A, %reduce_max3A_65 : vector<512xf32>
    %get3A_67 = arith.constant 2 : index
    %get3A_68 = arith.constant 0 : index
    %get3A_69 = vector.load %arg2[%get3A_67, %get3A_68] : memref<32x512xi32, #tpu.memory_space<vmem>>, vector<1x512xi32>
    %get3A_70 = vector.shape_cast %get3A_69 : vector<1x512xi32> to vector<512xi32>
    %get3A_71 = arith.constant 2 : index
    %get3A_72 = arith.constant 0 : index
    %get3A_73 = vector.load %arg3[%get3A_71, %get3A_72] : memref<32x512xf32, #tpu.memory_space<vmem>>, vector<1x512xf32>
    %get3A_74 = vector.shape_cast %get3A_73 : vector<1x512xf32> to vector<512xf32>
    %get3A_75 = arith.constant 1024 : index
    %get3A_76 = arith.constant 0 : index
    %get3A_77 = vector.load %arg4[%get3A_75, %get3A_76] : memref<16384x32xbf16, #tpu.memory_space<vmem>>, vector<512x32xbf16>
    %broadcast_in_dim3A_78 = vector.shape_cast %get3A_3 : vector<512xi32> to vector<512x1xi32>
    %broadcast_in_dim3A_79 = vector.shape_cast %get3A_70 : vector<512xi32> to vector<1x512xi32>
    %eq3A_80 = vector.broadcast %broadcast_in_dim3A_78 : vector<512x1xi32> to vector<512x512xi32>
    %eq3A_81 = vector.broadcast %broadcast_in_dim3A_79 : vector<1x512xi32> to vector<512x512xi32>
    %eq3A_82 = arith.cmpi eq, %eq3A_80, %eq3A_81 : vector<512x512xi32>
    %jit3A_83 = arith.constant 1.000000e+00 : f32
    %jit3A_84 = arith.constant 0.000000e+00 : f32
    %broadcast_in_dim3A_85 = vector.broadcast %jit3A_83 : f32 to vector<512x512xf32>
    %broadcast_in_dim3A_86 = vector.broadcast %jit3A_84 : f32 to vector<512x512xf32>
    %select_n3A_87 = arith.select %eq3A_82, %broadcast_in_dim3A_85, %broadcast_in_dim3A_86 : vector<512x512xi1>, vector<512x512xf32>
    %convert_element_type3A_88 = arith.truncf %select_n3A_87 : vector<512x512xf32> to vector<512x512xbf16>
    %dot_general3A_89 = arith.constant dense<0.000000e+00> : vector<512x32xf32>
    %dot_general3A_90 = tpu.matmul %convert_element_type3A_88, %get3A_77, %dot_general3A_89 {dimension_numbers = #tpu.dot_dimension_numbers<[1], [0], [0], [1], [0, 0, 1, 1], [], []>, transpose_lhs_hint = false} : vector<512x512xbf16>, vector<512x32xbf16>, vector<512x32xf32> -> vector<512x32xf32>
    %add3A_91 = arith.addf %add3A_57, %dot_general3A_90 : vector<512x32xf32>
    %broadcast_in_dim3A_92 = vector.shape_cast %get3A_74 : vector<512xf32> to vector<1x512xf32>
    %jit3A_93 = arith.constant 0xFF800000 : f32
    %broadcast_in_dim3A_94 = vector.shape_cast %broadcast_in_dim3A_92 : vector<1x512xf32> to vector<1x512xf32>
    %broadcast_in_dim3A_95 = vector.broadcast %broadcast_in_dim3A_94 : vector<1x512xf32> to vector<512x512xf32>
    %broadcast_in_dim3A_96 = vector.broadcast %jit3A_93 : f32 to vector<512x512xf32>
    %select_n3A_97 = arith.select %eq3A_82, %broadcast_in_dim3A_95, %broadcast_in_dim3A_96 : vector<512x512xi1>, vector<512x512xf32>
    %reduce_max3A_98 = arith.constant dense<0xFF800000> : vector<512xf32>
    %reduce_max3A_99 = vector.multi_reduction <maximumf>, %select_n3A_97, %reduce_max3A_98 [1] : vector<512x512xf32> to vector<512xf32>
    %max3A_100 = arith.maximumf %max3A_66, %reduce_max3A_99 : vector<512xf32>
    %get3A_101 = arith.constant 3 : index
    %get3A_102 = arith.constant 0 : index
    %get3A_103 = vector.load %arg2[%get3A_101, %get3A_102] : memref<32x512xi32, #tpu.memory_space<vmem>>, vector<1x512xi32>
    %get3A_104 = vector.shape_cast %get3A_103 : vector<1x512xi32> to vector<512xi32>
    %get3A_105 = arith.constant 3 : index
    %get3A_106 = arith.constant 0 : index
    %get3A_107 = vector.load %arg3[%get3A_105, %get3A_106] : memref<32x512xf32, #tpu.memory_space<vmem>>, vector<1x512xf32>
    %get3A_108 = vector.shape_cast %get3A_107 : vector<1x512xf32> to vector<512xf32>
    %get3A_109 = arith.constant 1536 : index
    %get3A_110 = arith.constant 0 : index
    %get3A_111 = vector.load %arg4[%get3A_109, %get3A_110] : memref<16384x32xbf16, #tpu.memory_space<vmem>>, vector<512x32xbf16>
    %broadcast_in_dim3A_112 = vector.shape_cast %get3A_3 : vector<512xi32> to vector<512x1xi32>
    %broadcast_in_dim3A_113 = vector.shape_cast %get3A_104 : vector<512xi32> to vector<1x512xi32>
    %eq3A_114 = vector.broadcast %broadcast_in_dim3A_112 : vector<512x1xi32> to vector<512x512xi32>
    %eq3A_115 = vector.broadcast %broadcast_in_dim3A_113 : vector<1x512xi32> to vector<512x512xi32>
    %eq3A_116 = arith.cmpi eq, %eq3A_114, %eq3A_115 : vector<512x512xi32>
    %jit3A_117 = arith.constant 1.000000e+00 : f32
    %jit3A_118 = arith.constant 0.000000e+00 : f32
    %broadcast_in_dim3A_119 = vector.broadcast %jit3A_117 : f32 to vector<512x512xf32>
    %broadcast_in_dim3A_120 = vector.broadcast %jit3A_118 : f32 to vector<512x512xf32>
    %select_n3A_121 = arith.select %eq3A_116, %broadcast_in_dim3A_119, %broadcast_in_dim3A_120 : vector<512x512xi1>, vector<512x512xf32>
    %convert_element_type3A_122 = arith.truncf %select_n3A_121 : vector<512x512xf32> to vector<512x512xbf16>
    %dot_general3A_123 = arith.constant dense<0.000000e+00> : vector<512x32xf32>
    %dot_general3A_124 = tpu.matmul %convert_element_type3A_122, %get3A_111, %dot_general3A_123 {dimension_numbers = #tpu.dot_dimension_numbers<[1], [0], [0], [1], [0, 0, 1, 1], [], []>, transpose_lhs_hint = false} : vector<512x512xbf16>, vector<512x32xbf16>, vector<512x32xf32> -> vector<512x32xf32>
    %add3A_125 = arith.addf %add3A_91, %dot_general3A_124 : vector<512x32xf32>
    %broadcast_in_dim3A_126 = vector.shape_cast %get3A_108 : vector<512xf32> to vector<1x512xf32>
    %jit3A_127 = arith.constant 0xFF800000 : f32
    %broadcast_in_dim3A_128 = vector.shape_cast %broadcast_in_dim3A_126 : vector<1x512xf32> to vector<1x512xf32>
    %broadcast_in_dim3A_129 = vector.broadcast %broadcast_in_dim3A_128 : vector<1x512xf32> to vector<512x512xf32>
    %broadcast_in_dim3A_130 = vector.broadcast %jit3A_127 : f32 to vector<512x512xf32>
    %select_n3A_131 = arith.select %eq3A_116, %broadcast_in_dim3A_129, %broadcast_in_dim3A_130 : vector<512x512xi1>, vector<512x512xf32>
    %reduce_max3A_132 = arith.constant dense<0xFF800000> : vector<512xf32>
    %reduce_max3A_133 = vector.multi_reduction <maximumf>, %select_n3A_131, %reduce_max3A_132 [1] : vector<512x512xf32> to vector<512xf32>
    %max3A_134 = arith.maximumf %max3A_100, %reduce_max3A_133 : vector<512xf32>
    %get3A_135 = arith.constant 4 : index
    %get3A_136 = arith.constant 0 : index
    %get3A_137 = vector.load %arg2[%get3A_135, %get3A_136] : memref<32x512xi32, #tpu.memory_space<vmem>>, vector<1x512xi32>
    %get3A_138 = vector.shape_cast %get3A_137 : vector<1x512xi32> to vector<512xi32>
    %get3A_139 = arith.constant 4 : index
    %get3A_140 = arith.constant 0 : index
    %get3A_141 = vector.load %arg3[%get3A_139, %get3A_140] : memref<32x512xf32, #tpu.memory_space<vmem>>, vector<1x512xf32>
    %get3A_142 = vector.shape_cast %get3A_141 : vector<1x512xf32> to vector<512xf32>
    %get3A_143 = arith.constant 2048 : index
    %get3A_144 = arith.constant 0 : index
    %get3A_145 = vector.load %arg4[%get3A_143, %get3A_144] : memref<16384x32xbf16, #tpu.memory_space<vmem>>, vector<512x32xbf16>
    %broadcast_in_dim3A_146 = vector.shape_cast %get3A_3 : vector<512xi32> to vector<512x1xi32>
    %broadcast_in_dim3A_147 = vector.shape_cast %get3A_138 : vector<512xi32> to vector<1x512xi32>
    %eq3A_148 = vector.broadcast %broadcast_in_dim3A_146 : vector<512x1xi32> to vector<512x512xi32>
    %eq3A_149 = vector.broadcast %broadcast_in_dim3A_147 : vector<1x512xi32> to vector<512x512xi32>
    %eq3A_150 = arith.cmpi eq, %eq3A_148, %eq3A_149 : vector<512x512xi32>
    %jit3A_151 = arith.constant 1.000000e+00 : f32
    %jit3A_152 = arith.constant 0.000000e+00 : f32
    %broadcast_in_dim3A_153 = vector.broadcast %jit3A_151 : f32 to vector<512x512xf32>
    %broadcast_in_dim3A_154 = vector.broadcast %jit3A_152 : f32 to vector<512x512xf32>
    %select_n3A_155 = arith.select %eq3A_150, %broadcast_in_dim3A_153, %broadcast_in_dim3A_154 : vector<512x512xi1>, vector<512x512xf32>
    %convert_element_type3A_156 = arith.truncf %select_n3A_155 : vector<512x512xf32> to vector<512x512xbf16>
    %dot_general3A_157 = arith.constant dense<0.000000e+00> : vector<512x32xf32>
    %dot_general3A_158 = tpu.matmul %convert_element_type3A_156, %get3A_145, %dot_general3A_157 {dimension_numbers = #tpu.dot_dimension_numbers<[1], [0], [0], [1], [0, 0, 1, 1], [], []>, transpose_lhs_hint = false} : vector<512x512xbf16>, vector<512x32xbf16>, vector<512x32xf32> -> vector<512x32xf32>
    %add3A_159 = arith.addf %add3A_125, %dot_general3A_158 : vector<512x32xf32>
    %broadcast_in_dim3A_160 = vector.shape_cast %get3A_142 : vector<512xf32> to vector<1x512xf32>
    %jit3A_161 = arith.constant 0xFF800000 : f32
    %broadcast_in_dim3A_162 = vector.shape_cast %broadcast_in_dim3A_160 : vector<1x512xf32> to vector<1x512xf32>
    %broadcast_in_dim3A_163 = vector.broadcast %broadcast_in_dim3A_162 : vector<1x512xf32> to vector<512x512xf32>
    %broadcast_in_dim3A_164 = vector.broadcast %jit3A_161 : f32 to vector<512x512xf32>
    %select_n3A_165 = arith.select %eq3A_150, %broadcast_in_dim3A_163, %broadcast_in_dim3A_164 : vector<512x512xi1>, vector<512x512xf32>
    %reduce_max3A_166 = arith.constant dense<0xFF800000> : vector<512xf32>
    %reduce_max3A_167 = vector.multi_reduction <maximumf>, %select_n3A_165, %reduce_max3A_166 [1] : vector<512x512xf32> to vector<512xf32>
    %max3A_168 = arith.maximumf %max3A_134, %reduce_max3A_167 : vector<512xf32>
    %get3A_169 = arith.constant 5 : index
    %get3A_170 = arith.constant 0 : index
    %get3A_171 = vector.load %arg2[%get3A_169, %get3A_170] : memref<32x512xi32, #tpu.memory_space<vmem>>, vector<1x512xi32>
    %get3A_172 = vector.shape_cast %get3A_171 : vector<1x512xi32> to vector<512xi32>
    %get3A_173 = arith.constant 5 : index
    %get3A_174 = arith.constant 0 : index
    %get3A_175 = vector.load %arg3[%get3A_173, %get3A_174] : memref<32x512xf32, #tpu.memory_space<vmem>>, vector<1x512xf32>
    %get3A_176 = vector.shape_cast %get3A_175 : vector<1x512xf32> to vector<512xf32>
    %get3A_177 = arith.constant 2560 : index
    %get3A_178 = arith.constant 0 : index
    %get3A_179 = vector.load %arg4[%get3A_177, %get3A_178] : memref<16384x32xbf16, #tpu.memory_space<vmem>>, vector<512x32xbf16>
    %broadcast_in_dim3A_180 = vector.shape_cast %get3A_3 : vector<512xi32> to vector<512x1xi32>
    %broadcast_in_dim3A_181 = vector.shape_cast %get3A_172 : vector<512xi32> to vector<1x512xi32>
    %eq3A_182 = vector.broadcast %broadcast_in_dim3A_180 : vector<512x1xi32> to vector<512x512xi32>
    %eq3A_183 = vector.broadcast %broadcast_in_dim3A_181 : vector<1x512xi32> to vector<512x512xi32>
    %eq3A_184 = arith.cmpi eq, %eq3A_182, %eq3A_183 : vector<512x512xi32>
    %jit3A_185 = arith.constant 1.000000e+00 : f32
    %jit3A_186 = arith.constant 0.000000e+00 : f32
    %broadcast_in_dim3A_187 = vector.broadcast %jit3A_185 : f32 to vector<512x512xf32>
    %broadcast_in_dim3A_188 = vector.broadcast %jit3A_186 : f32 to vector<512x512xf32>
    %select_n3A_189 = arith.select %eq3A_184, %broadcast_in_dim3A_187, %broadcast_in_dim3A_188 : vector<512x512xi1>, vector<512x512xf32>
    %convert_element_type3A_190 = arith.truncf %select_n3A_189 : vector<512x512xf32> to vector<512x512xbf16>
    %dot_general3A_191 = arith.constant dense<0.000000e+00> : vector<512x32xf32>
    %dot_general3A_192 = tpu.matmul %convert_element_type3A_190, %get3A_179, %dot_general3A_191 {dimension_numbers = #tpu.dot_dimension_numbers<[1], [0], [0], [1], [0, 0, 1, 1], [], []>, transpose_lhs_hint = false} : vector<512x512xbf16>, vector<512x32xbf16>, vector<512x32xf32> -> vector<512x32xf32>
    %add3A_193 = arith.addf %add3A_159, %dot_general3A_192 : vector<512x32xf32>
    %broadcast_in_dim3A_194 = vector.shape_cast %get3A_176 : vector<512xf32> to vector<1x512xf32>
    %jit3A_195 = arith.constant 0xFF800000 : f32
    %broadcast_in_dim3A_196 = vector.shape_cast %broadcast_in_dim3A_194 : vector<1x512xf32> to vector<1x512xf32>
    %broadcast_in_dim3A_197 = vector.broadcast %broadcast_in_dim3A_196 : vector<1x512xf32> to vector<512x512xf32>
    %broadcast_in_dim3A_198 = vector.broadcast %jit3A_195 : f32 to vector<512x512xf32>
    %select_n3A_199 = arith.select %eq3A_184, %broadcast_in_dim3A_197, %broadcast_in_dim3A_198 : vector<512x512xi1>, vector<512x512xf32>
    %reduce_max3A_200 = arith.constant dense<0xFF800000> : vector<512xf32>
    %reduce_max3A_201 = vector.multi_reduction <maximumf>, %select_n3A_199, %reduce_max3A_200 [1] : vector<512x512xf32> to vector<512xf32>
    %max3A_202 = arith.maximumf %max3A_168, %reduce_max3A_201 : vector<512xf32>
    %get3A_203 = arith.constant 6 : index
    %get3A_204 = arith.constant 0 : index
    %get3A_205 = vector.load %arg2[%get3A_203, %get3A_204] : memref<32x512xi32, #tpu.memory_space<vmem>>, vector<1x512xi32>
    %get3A_206 = vector.shape_cast %get3A_205 : vector<1x512xi32> to vector<512xi32>
    %get3A_207 = arith.constant 6 : index
    %get3A_208 = arith.constant 0 : index
    %get3A_209 = vector.load %arg3[%get3A_207, %get3A_208] : memref<32x512xf32, #tpu.memory_space<vmem>>, vector<1x512xf32>
    %get3A_210 = vector.shape_cast %get3A_209 : vector<1x512xf32> to vector<512xf32>
    %get3A_211 = arith.constant 3072 : index
    %get3A_212 = arith.constant 0 : index
    %get3A_213 = vector.load %arg4[%get3A_211, %get3A_212] : memref<16384x32xbf16, #tpu.memory_space<vmem>>, vector<512x32xbf16>
    %broadcast_in_dim3A_214 = vector.shape_cast %get3A_3 : vector<512xi32> to vector<512x1xi32>
    %broadcast_in_dim3A_215 = vector.shape_cast %get3A_206 : vector<512xi32> to vector<1x512xi32>
    %eq3A_216 = vector.broadcast %broadcast_in_dim3A_214 : vector<512x1xi32> to vector<512x512xi32>
    %eq3A_217 = vector.broadcast %broadcast_in_dim3A_215 : vector<1x512xi32> to vector<512x512xi32>
    %eq3A_218 = arith.cmpi eq, %eq3A_216, %eq3A_217 : vector<512x512xi32>
    %jit3A_219 = arith.constant 1.000000e+00 : f32
    %jit3A_220 = arith.constant 0.000000e+00 : f32
    %broadcast_in_dim3A_221 = vector.broadcast %jit3A_219 : f32 to vector<512x512xf32>
    %broadcast_in_dim3A_222 = vector.broadcast %jit3A_220 : f32 to vector<512x512xf32>
    %select_n3A_223 = arith.select %eq3A_218, %broadcast_in_dim3A_221, %broadcast_in_dim3A_222 : vector<512x512xi1>, vector<512x512xf32>
    %convert_element_type3A_224 = arith.truncf %select_n3A_223 : vector<512x512xf32> to vector<512x512xbf16>
    %dot_general3A_225 = arith.constant dense<0.000000e+00> : vector<512x32xf32>
    %dot_general3A_226 = tpu.matmul %convert_element_type3A_224, %get3A_213, %dot_general3A_225 {dimension_numbers = #tpu.dot_dimension_numbers<[1], [0], [0], [1], [0, 0, 1, 1], [], []>, transpose_lhs_hint = false} : vector<512x512xbf16>, vector<512x32xbf16>, vector<512x32xf32> -> vector<512x32xf32>
    %add3A_227 = arith.addf %add3A_193, %dot_general3A_226 : vector<512x32xf32>
    %broadcast_in_dim3A_228 = vector.shape_cast %get3A_210 : vector<512xf32> to vector<1x512xf32>
    %jit3A_229 = arith.constant 0xFF800000 : f32
    %broadcast_in_dim3A_230 = vector.shape_cast %broadcast_in_dim3A_228 : vector<1x512xf32> to vector<1x512xf32>
    %broadcast_in_dim3A_231 = vector.broadcast %broadcast_in_dim3A_230 : vector<1x512xf32> to vector<512x512xf32>
    %broadcast_in_dim3A_232 = vector.broadcast %jit3A_229 : f32 to vector<512x512xf32>
    %select_n3A_233 = arith.select %eq3A_218, %broadcast_in_dim3A_231, %broadcast_in_dim3A_232 : vector<512x512xi1>, vector<512x512xf32>
    %reduce_max3A_234 = arith.constant dense<0xFF800000> : vector<512xf32>
    %reduce_max3A_235 = vector.multi_reduction <maximumf>, %select_n3A_233, %reduce_max3A_234 [1] : vector<512x512xf32> to vector<512xf32>
    %max3A_236 = arith.maximumf %max3A_202, %reduce_max3A_235 : vector<512xf32>
    %get3A_237 = arith.constant 7 : index
    %get3A_238 = arith.constant 0 : index
    %get3A_239 = vector.load %arg2[%get3A_237, %get3A_238] : memref<32x512xi32, #tpu.memory_space<vmem>>, vector<1x512xi32>
    %get3A_240 = vector.shape_cast %get3A_239 : vector<1x512xi32> to vector<512xi32>
    %get3A_241 = arith.constant 7 : index
    %get3A_242 = arith.constant 0 : index
    %get3A_243 = vector.load %arg3[%get3A_241, %get3A_242] : memref<32x512xf32, #tpu.memory_space<vmem>>, vector<1x512xf32>
    %get3A_244 = vector.shape_cast %get3A_243 : vector<1x512xf32> to vector<512xf32>
    %get3A_245 = arith.constant 3584 : index
    %get3A_246 = arith.constant 0 : index
    %get3A_247 = vector.load %arg4[%get3A_245, %get3A_246] : memref<16384x32xbf16, #tpu.memory_space<vmem>>, vector<512x32xbf16>
    %broadcast_in_dim3A_248 = vector.shape_cast %get3A_3 : vector<512xi32> to vector<512x1xi32>
    %broadcast_in_dim3A_249 = vector.shape_cast %get3A_240 : vector<512xi32> to vector<1x512xi32>
    %eq3A_250 = vector.broadcast %broadcast_in_dim3A_248 : vector<512x1xi32> to vector<512x512xi32>
    %eq3A_251 = vector.broadcast %broadcast_in_dim3A_249 : vector<1x512xi32> to vector<512x512xi32>
    %eq3A_252 = arith.cmpi eq, %eq3A_250, %eq3A_251 : vector<512x512xi32>
    %jit3A_253 = arith.constant 1.000000e+00 : f32
    %jit3A_254 = arith.constant 0.000000e+00 : f32
    %broadcast_in_dim3A_255 = vector.broadcast %jit3A_253 : f32 to vector<512x512xf32>
    %broadcast_in_dim3A_256 = vector.broadcast %jit3A_254 : f32 to vector<512x512xf32>
    %select_n3A_257 = arith.select %eq3A_252, %broadcast_in_dim3A_255, %broadcast_in_dim3A_256 : vector<512x512xi1>, vector<512x512xf32>
    %convert_element_type3A_258 = arith.truncf %select_n3A_257 : vector<512x512xf32> to vector<512x512xbf16>
    %dot_general3A_259 = arith.constant dense<0.000000e+00> : vector<512x32xf32>
    %dot_general3A_260 = tpu.matmul %convert_element_type3A_258, %get3A_247, %dot_general3A_259 {dimension_numbers = #tpu.dot_dimension_numbers<[1], [0], [0], [1], [0, 0, 1, 1], [], []>, transpose_lhs_hint = false} : vector<512x512xbf16>, vector<512x32xbf16>, vector<512x32xf32> -> vector<512x32xf32>
    %add3A_261 = arith.addf %add3A_227, %dot_general3A_260 : vector<512x32xf32>
    %broadcast_in_dim3A_262 = vector.shape_cast %get3A_244 : vector<512xf32> to vector<1x512xf32>
    %jit3A_263 = arith.constant 0xFF800000 : f32
    %broadcast_in_dim3A_264 = vector.shape_cast %broadcast_in_dim3A_262 : vector<1x512xf32> to vector<1x512xf32>
    %broadcast_in_dim3A_265 = vector.broadcast %broadcast_in_dim3A_264 : vector<1x512xf32> to vector<512x512xf32>
    %broadcast_in_dim3A_266 = vector.broadcast %jit3A_263 : f32 to vector<512x512xf32>
    %select_n3A_267 = arith.select %eq3A_252, %broadcast_in_dim3A_265, %broadcast_in_dim3A_266 : vector<512x512xi1>, vector<512x512xf32>
    %reduce_max3A_268 = arith.constant dense<0xFF800000> : vector<512xf32>
    %reduce_max3A_269 = vector.multi_reduction <maximumf>, %select_n3A_267, %reduce_max3A_268 [1] : vector<512x512xf32> to vector<512xf32>
    %max3A_270 = arith.maximumf %max3A_236, %reduce_max3A_269 : vector<512xf32>
    %get3A_271 = arith.constant 8 : index
    %get3A_272 = arith.constant 0 : index
    %get3A_273 = vector.load %arg2[%get3A_271, %get3A_272] : memref<32x512xi32, #tpu.memory_space<vmem>>, vector<1x512xi32>
    %get3A_274 = vector.shape_cast %get3A_273 : vector<1x512xi32> to vector<512xi32>
    %get3A_275 = arith.constant 8 : index
    %get3A_276 = arith.constant 0 : index
    %get3A_277 = vector.load %arg3[%get3A_275, %get3A_276] : memref<32x512xf32, #tpu.memory_space<vmem>>, vector<1x512xf32>
    %get3A_278 = vector.shape_cast %get3A_277 : vector<1x512xf32> to vector<512xf32>
    %get3A_279 = arith.constant 4096 : index
    %get3A_280 = arith.constant 0 : index
    %get3A_281 = vector.load %arg4[%get3A_279, %get3A_280] : memref<16384x32xbf16, #tpu.memory_space<vmem>>, vector<512x32xbf16>
    %broadcast_in_dim3A_282 = vector.shape_cast %get3A_3 : vector<512xi32> to vector<512x1xi32>
    %broadcast_in_dim3A_283 = vector.shape_cast %get3A_274 : vector<512xi32> to vector<1x512xi32>
    %eq3A_284 = vector.broadcast %broadcast_in_dim3A_282 : vector<512x1xi32> to vector<512x512xi32>
    %eq3A_285 = vector.broadcast %broadcast_in_dim3A_283 : vector<1x512xi32> to vector<512x512xi32>
    %eq3A_286 = arith.cmpi eq, %eq3A_284, %eq3A_285 : vector<512x512xi32>
    %jit3A_287 = arith.constant 1.000000e+00 : f32
    %jit3A_288 = arith.constant 0.000000e+00 : f32
    %broadcast_in_dim3A_289 = vector.broadcast %jit3A_287 : f32 to vector<512x512xf32>
    %broadcast_in_dim3A_290 = vector.broadcast %jit3A_288 : f32 to vector<512x512xf32>
    %select_n3A_291 = arith.select %eq3A_286, %broadcast_in_dim3A_289, %broadcast_in_dim3A_290 : vector<512x512xi1>, vector<512x512xf32>
    %convert_element_type3A_292 = arith.truncf %select_n3A_291 : vector<512x512xf32> to vector<512x512xbf16>
    %dot_general3A_293 = arith.constant dense<0.000000e+00> : vector<512x32xf32>
    %dot_general3A_294 = tpu.matmul %convert_element_type3A_292, %get3A_281, %dot_general3A_293 {dimension_numbers = #tpu.dot_dimension_numbers<[1], [0], [0], [1], [0, 0, 1, 1], [], []>, transpose_lhs_hint = false} : vector<512x512xbf16>, vector<512x32xbf16>, vector<512x32xf32> -> vector<512x32xf32>
    %add3A_295 = arith.addf %add3A_261, %dot_general3A_294 : vector<512x32xf32>
    %broadcast_in_dim3A_296 = vector.shape_cast %get3A_278 : vector<512xf32> to vector<1x512xf32>
    %jit3A_297 = arith.constant 0xFF800000 : f32
    %broadcast_in_dim3A_298 = vector.shape_cast %broadcast_in_dim3A_296 : vector<1x512xf32> to vector<1x512xf32>
    %broadcast_in_dim3A_299 = vector.broadcast %broadcast_in_dim3A_298 : vector<1x512xf32> to vector<512x512xf32>
    %broadcast_in_dim3A_300 = vector.broadcast %jit3A_297 : f32 to vector<512x512xf32>
    %select_n3A_301 = arith.select %eq3A_286, %broadcast_in_dim3A_299, %broadcast_in_dim3A_300 : vector<512x512xi1>, vector<512x512xf32>
    %reduce_max3A_302 = arith.constant dense<0xFF800000> : vector<512xf32>
    %reduce_max3A_303 = vector.multi_reduction <maximumf>, %select_n3A_301, %reduce_max3A_302 [1] : vector<512x512xf32> to vector<512xf32>
    %max3A_304 = arith.maximumf %max3A_270, %reduce_max3A_303 : vector<512xf32>
    %get3A_305 = arith.constant 9 : index
    %get3A_306 = arith.constant 0 : index
    %get3A_307 = vector.load %arg2[%get3A_305, %get3A_306] : memref<32x512xi32, #tpu.memory_space<vmem>>, vector<1x512xi32>
    %get3A_308 = vector.shape_cast %get3A_307 : vector<1x512xi32> to vector<512xi32>
    %get3A_309 = arith.constant 9 : index
    %get3A_310 = arith.constant 0 : index
    %get3A_311 = vector.load %arg3[%get3A_309, %get3A_310] : memref<32x512xf32, #tpu.memory_space<vmem>>, vector<1x512xf32>
    %get3A_312 = vector.shape_cast %get3A_311 : vector<1x512xf32> to vector<512xf32>
    %get3A_313 = arith.constant 4608 : index
    %get3A_314 = arith.constant 0 : index
    %get3A_315 = vector.load %arg4[%get3A_313, %get3A_314] : memref<16384x32xbf16, #tpu.memory_space<vmem>>, vector<512x32xbf16>
    %broadcast_in_dim3A_316 = vector.shape_cast %get3A_3 : vector<512xi32> to vector<512x1xi32>
    %broadcast_in_dim3A_317 = vector.shape_cast %get3A_308 : vector<512xi32> to vector<1x512xi32>
    %eq3A_318 = vector.broadcast %broadcast_in_dim3A_316 : vector<512x1xi32> to vector<512x512xi32>
    %eq3A_319 = vector.broadcast %broadcast_in_dim3A_317 : vector<1x512xi32> to vector<512x512xi32>
    %eq3A_320 = arith.cmpi eq, %eq3A_318, %eq3A_319 : vector<512x512xi32>
    %jit3A_321 = arith.constant 1.000000e+00 : f32
    %jit3A_322 = arith.constant 0.000000e+00 : f32
    %broadcast_in_dim3A_323 = vector.broadcast %jit3A_321 : f32 to vector<512x512xf32>
    %broadcast_in_dim3A_324 = vector.broadcast %jit3A_322 : f32 to vector<512x512xf32>
    %select_n3A_325 = arith.select %eq3A_320, %broadcast_in_dim3A_323, %broadcast_in_dim3A_324 : vector<512x512xi1>, vector<512x512xf32>
    %convert_element_type3A_326 = arith.truncf %select_n3A_325 : vector<512x512xf32> to vector<512x512xbf16>
    %dot_general3A_327 = arith.constant dense<0.000000e+00> : vector<512x32xf32>
    %dot_general3A_328 = tpu.matmul %convert_element_type3A_326, %get3A_315, %dot_general3A_327 {dimension_numbers = #tpu.dot_dimension_numbers<[1], [0], [0], [1], [0, 0, 1, 1], [], []>, transpose_lhs_hint = false} : vector<512x512xbf16>, vector<512x32xbf16>, vector<512x32xf32> -> vector<512x32xf32>
    %add3A_329 = arith.addf %add3A_295, %dot_general3A_328 : vector<512x32xf32>
    %broadcast_in_dim3A_330 = vector.shape_cast %get3A_312 : vector<512xf32> to vector<1x512xf32>
    %jit3A_331 = arith.constant 0xFF800000 : f32
    %broadcast_in_dim3A_332 = vector.shape_cast %broadcast_in_dim3A_330 : vector<1x512xf32> to vector<1x512xf32>
    %broadcast_in_dim3A_333 = vector.broadcast %broadcast_in_dim3A_332 : vector<1x512xf32> to vector<512x512xf32>
    %broadcast_in_dim3A_334 = vector.broadcast %jit3A_331 : f32 to vector<512x512xf32>
    %select_n3A_335 = arith.select %eq3A_320, %broadcast_in_dim3A_333, %broadcast_in_dim3A_334 : vector<512x512xi1>, vector<512x512xf32>
    %reduce_max3A_336 = arith.constant dense<0xFF800000> : vector<512xf32>
    %reduce_max3A_337 = vector.multi_reduction <maximumf>, %select_n3A_335, %reduce_max3A_336 [1] : vector<512x512xf32> to vector<512xf32>
    %max3A_338 = arith.maximumf %max3A_304, %reduce_max3A_337 : vector<512xf32>
    %get3A_339 = arith.constant 10 : index
    %get3A_340 = arith.constant 0 : index
    %get3A_341 = vector.load %arg2[%get3A_339, %get3A_340] : memref<32x512xi32, #tpu.memory_space<vmem>>, vector<1x512xi32>
    %get3A_342 = vector.shape_cast %get3A_341 : vector<1x512xi32> to vector<512xi32>
    %get3A_343 = arith.constant 10 : index
    %get3A_344 = arith.constant 0 : index
    %get3A_345 = vector.load %arg3[%get3A_343, %get3A_344] : memref<32x512xf32, #tpu.memory_space<vmem>>, vector<1x512xf32>
    %get3A_346 = vector.shape_cast %get3A_345 : vector<1x512xf32> to vector<512xf32>
    %get3A_347 = arith.constant 5120 : index
    %get3A_348 = arith.constant 0 : index
    %get3A_349 = vector.load %arg4[%get3A_347, %get3A_348] : memref<16384x32xbf16, #tpu.memory_space<vmem>>, vector<512x32xbf16>
    %broadcast_in_dim3A_350 = vector.shape_cast %get3A_3 : vector<512xi32> to vector<512x1xi32>
    %broadcast_in_dim3A_351 = vector.shape_cast %get3A_342 : vector<512xi32> to vector<1x512xi32>
    %eq3A_352 = vector.broadcast %broadcast_in_dim3A_350 : vector<512x1xi32> to vector<512x512xi32>
    %eq3A_353 = vector.broadcast %broadcast_in_dim3A_351 : vector<1x512xi32> to vector<512x512xi32>
    %eq3A_354 = arith.cmpi eq, %eq3A_352, %eq3A_353 : vector<512x512xi32>
    %jit3A_355 = arith.constant 1.000000e+00 : f32
    %jit3A_356 = arith.constant 0.000000e+00 : f32
    %broadcast_in_dim3A_357 = vector.broadcast %jit3A_355 : f32 to vector<512x512xf32>
    %broadcast_in_dim3A_358 = vector.broadcast %jit3A_356 : f32 to vector<512x512xf32>
    %select_n3A_359 = arith.select %eq3A_354, %broadcast_in_dim3A_357, %broadcast_in_dim3A_358 : vector<512x512xi1>, vector<512x512xf32>
    %convert_element_type3A_360 = arith.truncf %select_n3A_359 : vector<512x512xf32> to vector<512x512xbf16>
    %dot_general3A_361 = arith.constant dense<0.000000e+00> : vector<512x32xf32>
    %dot_general3A_362 = tpu.matmul %convert_element_type3A_360, %get3A_349, %dot_general3A_361 {dimension_numbers = #tpu.dot_dimension_numbers<[1], [0], [0], [1], [0, 0, 1, 1], [], []>, transpose_lhs_hint = false} : vector<512x512xbf16>, vector<512x32xbf16>, vector<512x32xf32> -> vector<512x32xf32>
    %add3A_363 = arith.addf %add3A_329, %dot_general3A_362 : vector<512x32xf32>
    %broadcast_in_dim3A_364 = vector.shape_cast %get3A_346 : vector<512xf32> to vector<1x512xf32>
    %jit3A_365 = arith.constant 0xFF800000 : f32
    %broadcast_in_dim3A_366 = vector.shape_cast %broadcast_in_dim3A_364 : vector<1x512xf32> to vector<1x512xf32>
    %broadcast_in_dim3A_367 = vector.broadcast %broadcast_in_dim3A_366 : vector<1x512xf32> to vector<512x512xf32>
    %broadcast_in_dim3A_368 = vector.broadcast %jit3A_365 : f32 to vector<512x512xf32>
    %select_n3A_369 = arith.select %eq3A_354, %broadcast_in_dim3A_367, %broadcast_in_dim3A_368 : vector<512x512xi1>, vector<512x512xf32>
    %reduce_max3A_370 = arith.constant dense<0xFF800000> : vector<512xf32>
    %reduce_max3A_371 = vector.multi_reduction <maximumf>, %select_n3A_369, %reduce_max3A_370 [1] : vector<512x512xf32> to vector<512xf32>
    %max3A_372 = arith.maximumf %max3A_338, %reduce_max3A_371 : vector<512xf32>
    %get3A_373 = arith.constant 11 : index
    %get3A_374 = arith.constant 0 : index
    %get3A_375 = vector.load %arg2[%get3A_373, %get3A_374] : memref<32x512xi32, #tpu.memory_space<vmem>>, vector<1x512xi32>
    %get3A_376 = vector.shape_cast %get3A_375 : vector<1x512xi32> to vector<512xi32>
    %get3A_377 = arith.constant 11 : index
    %get3A_378 = arith.constant 0 : index
    %get3A_379 = vector.load %arg3[%get3A_377, %get3A_378] : memref<32x512xf32, #tpu.memory_space<vmem>>, vector<1x512xf32>
    %get3A_380 = vector.shape_cast %get3A_379 : vector<1x512xf32> to vector<512xf32>
    %get3A_381 = arith.constant 5632 : index
    %get3A_382 = arith.constant 0 : index
    %get3A_383 = vector.load %arg4[%get3A_381, %get3A_382] : memref<16384x32xbf16, #tpu.memory_space<vmem>>, vector<512x32xbf16>
    %broadcast_in_dim3A_384 = vector.shape_cast %get3A_3 : vector<512xi32> to vector<512x1xi32>
    %broadcast_in_dim3A_385 = vector.shape_cast %get3A_376 : vector<512xi32> to vector<1x512xi32>
    %eq3A_386 = vector.broadcast %broadcast_in_dim3A_384 : vector<512x1xi32> to vector<512x512xi32>
    %eq3A_387 = vector.broadcast %broadcast_in_dim3A_385 : vector<1x512xi32> to vector<512x512xi32>
    %eq3A_388 = arith.cmpi eq, %eq3A_386, %eq3A_387 : vector<512x512xi32>
    %jit3A_389 = arith.constant 1.000000e+00 : f32
    %jit3A_390 = arith.constant 0.000000e+00 : f32
    %broadcast_in_dim3A_391 = vector.broadcast %jit3A_389 : f32 to vector<512x512xf32>
    %broadcast_in_dim3A_392 = vector.broadcast %jit3A_390 : f32 to vector<512x512xf32>
    %select_n3A_393 = arith.select %eq3A_388, %broadcast_in_dim3A_391, %broadcast_in_dim3A_392 : vector<512x512xi1>, vector<512x512xf32>
    %convert_element_type3A_394 = arith.truncf %select_n3A_393 : vector<512x512xf32> to vector<512x512xbf16>
    %dot_general3A_395 = arith.constant dense<0.000000e+00> : vector<512x32xf32>
    %dot_general3A_396 = tpu.matmul %convert_element_type3A_394, %get3A_383, %dot_general3A_395 {dimension_numbers = #tpu.dot_dimension_numbers<[1], [0], [0], [1], [0, 0, 1, 1], [], []>, transpose_lhs_hint = false} : vector<512x512xbf16>, vector<512x32xbf16>, vector<512x32xf32> -> vector<512x32xf32>
    %add3A_397 = arith.addf %add3A_363, %dot_general3A_396 : vector<512x32xf32>
    %broadcast_in_dim3A_398 = vector.shape_cast %get3A_380 : vector<512xf32> to vector<1x512xf32>
    %jit3A_399 = arith.constant 0xFF800000 : f32
    %broadcast_in_dim3A_400 = vector.shape_cast %broadcast_in_dim3A_398 : vector<1x512xf32> to vector<1x512xf32>
    %broadcast_in_dim3A_401 = vector.broadcast %broadcast_in_dim3A_400 : vector<1x512xf32> to vector<512x512xf32>
    %broadcast_in_dim3A_402 = vector.broadcast %jit3A_399 : f32 to vector<512x512xf32>
    %select_n3A_403 = arith.select %eq3A_388, %broadcast_in_dim3A_401, %broadcast_in_dim3A_402 : vector<512x512xi1>, vector<512x512xf32>
    %reduce_max3A_404 = arith.constant dense<0xFF800000> : vector<512xf32>
    %reduce_max3A_405 = vector.multi_reduction <maximumf>, %select_n3A_403, %reduce_max3A_404 [1] : vector<512x512xf32> to vector<512xf32>
    %max3A_406 = arith.maximumf %max3A_372, %reduce_max3A_405 : vector<512xf32>
    %get3A_407 = arith.constant 12 : index
    %get3A_408 = arith.constant 0 : index
    %get3A_409 = vector.load %arg2[%get3A_407, %get3A_408] : memref<32x512xi32, #tpu.memory_space<vmem>>, vector<1x512xi32>
    %get3A_410 = vector.shape_cast %get3A_409 : vector<1x512xi32> to vector<512xi32>
    %get3A_411 = arith.constant 12 : index
    %get3A_412 = arith.constant 0 : index
    %get3A_413 = vector.load %arg3[%get3A_411, %get3A_412] : memref<32x512xf32, #tpu.memory_space<vmem>>, vector<1x512xf32>
    %get3A_414 = vector.shape_cast %get3A_413 : vector<1x512xf32> to vector<512xf32>
    %get3A_415 = arith.constant 6144 : index
    %get3A_416 = arith.constant 0 : index
    %get3A_417 = vector.load %arg4[%get3A_415, %get3A_416] : memref<16384x32xbf16, #tpu.memory_space<vmem>>, vector<512x32xbf16>
    %broadcast_in_dim3A_418 = vector.shape_cast %get3A_3 : vector<512xi32> to vector<512x1xi32>
    %broadcast_in_dim3A_419 = vector.shape_cast %get3A_410 : vector<512xi32> to vector<1x512xi32>
    %eq3A_420 = vector.broadcast %broadcast_in_dim3A_418 : vector<512x1xi32> to vector<512x512xi32>
    %eq3A_421 = vector.broadcast %broadcast_in_dim3A_419 : vector<1x512xi32> to vector<512x512xi32>
    %eq3A_422 = arith.cmpi eq, %eq3A_420, %eq3A_421 : vector<512x512xi32>
    %jit3A_423 = arith.constant 1.000000e+00 : f32
    %jit3A_424 = arith.constant 0.000000e+00 : f32
    %broadcast_in_dim3A_425 = vector.broadcast %jit3A_423 : f32 to vector<512x512xf32>
    %broadcast_in_dim3A_426 = vector.broadcast %jit3A_424 : f32 to vector<512x512xf32>
    %select_n3A_427 = arith.select %eq3A_422, %broadcast_in_dim3A_425, %broadcast_in_dim3A_426 : vector<512x512xi1>, vector<512x512xf32>
    %convert_element_type3A_428 = arith.truncf %select_n3A_427 : vector<512x512xf32> to vector<512x512xbf16>
    %dot_general3A_429 = arith.constant dense<0.000000e+00> : vector<512x32xf32>
    %dot_general3A_430 = tpu.matmul %convert_element_type3A_428, %get3A_417, %dot_general3A_429 {dimension_numbers = #tpu.dot_dimension_numbers<[1], [0], [0], [1], [0, 0, 1, 1], [], []>, transpose_lhs_hint = false} : vector<512x512xbf16>, vector<512x32xbf16>, vector<512x32xf32> -> vector<512x32xf32>
    %add3A_431 = arith.addf %add3A_397, %dot_general3A_430 : vector<512x32xf32>
    %broadcast_in_dim3A_432 = vector.shape_cast %get3A_414 : vector<512xf32> to vector<1x512xf32>
    %jit3A_433 = arith.constant 0xFF800000 : f32
    %broadcast_in_dim3A_434 = vector.shape_cast %broadcast_in_dim3A_432 : vector<1x512xf32> to vector<1x512xf32>
    %broadcast_in_dim3A_435 = vector.broadcast %broadcast_in_dim3A_434 : vector<1x512xf32> to vector<512x512xf32>
    %broadcast_in_dim3A_436 = vector.broadcast %jit3A_433 : f32 to vector<512x512xf32>
    %select_n3A_437 = arith.select %eq3A_422, %broadcast_in_dim3A_435, %broadcast_in_dim3A_436 : vector<512x512xi1>, vector<512x512xf32>
    %reduce_max3A_438 = arith.constant dense<0xFF800000> : vector<512xf32>
    %reduce_max3A_439 = vector.multi_reduction <maximumf>, %select_n3A_437, %reduce_max3A_438 [1] : vector<512x512xf32> to vector<512xf32>
    %max3A_440 = arith.maximumf %max3A_406, %reduce_max3A_439 : vector<512xf32>
    %get3A_441 = arith.constant 13 : index
    %get3A_442 = arith.constant 0 : index
    %get3A_443 = vector.load %arg2[%get3A_441, %get3A_442] : memref<32x512xi32, #tpu.memory_space<vmem>>, vector<1x512xi32>
    %get3A_444 = vector.shape_cast %get3A_443 : vector<1x512xi32> to vector<512xi32>
    %get3A_445 = arith.constant 13 : index
    %get3A_446 = arith.constant 0 : index
    %get3A_447 = vector.load %arg3[%get3A_445, %get3A_446] : memref<32x512xf32, #tpu.memory_space<vmem>>, vector<1x512xf32>
    %get3A_448 = vector.shape_cast %get3A_447 : vector<1x512xf32> to vector<512xf32>
    %get3A_449 = arith.constant 6656 : index
    %get3A_450 = arith.constant 0 : index
    %get3A_451 = vector.load %arg4[%get3A_449, %get3A_450] : memref<16384x32xbf16, #tpu.memory_space<vmem>>, vector<512x32xbf16>
    %broadcast_in_dim3A_452 = vector.shape_cast %get3A_3 : vector<512xi32> to vector<512x1xi32>
    %broadcast_in_dim3A_453 = vector.shape_cast %get3A_444 : vector<512xi32> to vector<1x512xi32>
    %eq3A_454 = vector.broadcast %broadcast_in_dim3A_452 : vector<512x1xi32> to vector<512x512xi32>
    %eq3A_455 = vector.broadcast %broadcast_in_dim3A_453 : vector<1x512xi32> to vector<512x512xi32>
    %eq3A_456 = arith.cmpi eq, %eq3A_454, %eq3A_455 : vector<512x512xi32>
    %jit3A_457 = arith.constant 1.000000e+00 : f32
    %jit3A_458 = arith.constant 0.000000e+00 : f32
    %broadcast_in_dim3A_459 = vector.broadcast %jit3A_457 : f32 to vector<512x512xf32>
    %broadcast_in_dim3A_460 = vector.broadcast %jit3A_458 : f32 to vector<512x512xf32>
    %select_n3A_461 = arith.select %eq3A_456, %broadcast_in_dim3A_459, %broadcast_in_dim3A_460 : vector<512x512xi1>, vector<512x512xf32>
    %convert_element_type3A_462 = arith.truncf %select_n3A_461 : vector<512x512xf32> to vector<512x512xbf16>
    %dot_general3A_463 = arith.constant dense<0.000000e+00> : vector<512x32xf32>
    %dot_general3A_464 = tpu.matmul %convert_element_type3A_462, %get3A_451, %dot_general3A_463 {dimension_numbers = #tpu.dot_dimension_numbers<[1], [0], [0], [1], [0, 0, 1, 1], [], []>, transpose_lhs_hint = false} : vector<512x512xbf16>, vector<512x32xbf16>, vector<512x32xf32> -> vector<512x32xf32>
    %add3A_465 = arith.addf %add3A_431, %dot_general3A_464 : vector<512x32xf32>
    %broadcast_in_dim3A_466 = vector.shape_cast %get3A_448 : vector<512xf32> to vector<1x512xf32>
    %jit3A_467 = arith.constant 0xFF800000 : f32
    %broadcast_in_dim3A_468 = vector.shape_cast %broadcast_in_dim3A_466 : vector<1x512xf32> to vector<1x512xf32>
    %broadcast_in_dim3A_469 = vector.broadcast %broadcast_in_dim3A_468 : vector<1x512xf32> to vector<512x512xf32>
    %broadcast_in_dim3A_470 = vector.broadcast %jit3A_467 : f32 to vector<512x512xf32>
    %select_n3A_471 = arith.select %eq3A_456, %broadcast_in_dim3A_469, %broadcast_in_dim3A_470 : vector<512x512xi1>, vector<512x512xf32>
    %reduce_max3A_472 = arith.constant dense<0xFF800000> : vector<512xf32>
    %reduce_max3A_473 = vector.multi_reduction <maximumf>, %select_n3A_471, %reduce_max3A_472 [1] : vector<512x512xf32> to vector<512xf32>
    %max3A_474 = arith.maximumf %max3A_440, %reduce_max3A_473 : vector<512xf32>
    %get3A_475 = arith.constant 14 : index
    %get3A_476 = arith.constant 0 : index
    %get3A_477 = vector.load %arg2[%get3A_475, %get3A_476] : memref<32x512xi32, #tpu.memory_space<vmem>>, vector<1x512xi32>
    %get3A_478 = vector.shape_cast %get3A_477 : vector<1x512xi32> to vector<512xi32>
    %get3A_479 = arith.constant 14 : index
    %get3A_480 = arith.constant 0 : index
    %get3A_481 = vector.load %arg3[%get3A_479, %get3A_480] : memref<32x512xf32, #tpu.memory_space<vmem>>, vector<1x512xf32>
    %get3A_482 = vector.shape_cast %get3A_481 : vector<1x512xf32> to vector<512xf32>
    %get3A_483 = arith.constant 7168 : index
    %get3A_484 = arith.constant 0 : index
    %get3A_485 = vector.load %arg4[%get3A_483, %get3A_484] : memref<16384x32xbf16, #tpu.memory_space<vmem>>, vector<512x32xbf16>
    %broadcast_in_dim3A_486 = vector.shape_cast %get3A_3 : vector<512xi32> to vector<512x1xi32>
    %broadcast_in_dim3A_487 = vector.shape_cast %get3A_478 : vector<512xi32> to vector<1x512xi32>
    %eq3A_488 = vector.broadcast %broadcast_in_dim3A_486 : vector<512x1xi32> to vector<512x512xi32>
    %eq3A_489 = vector.broadcast %broadcast_in_dim3A_487 : vector<1x512xi32> to vector<512x512xi32>
    %eq3A_490 = arith.cmpi eq, %eq3A_488, %eq3A_489 : vector<512x512xi32>
    %jit3A_491 = arith.constant 1.000000e+00 : f32
    %jit3A_492 = arith.constant 0.000000e+00 : f32
    %broadcast_in_dim3A_493 = vector.broadcast %jit3A_491 : f32 to vector<512x512xf32>
    %broadcast_in_dim3A_494 = vector.broadcast %jit3A_492 : f32 to vector<512x512xf32>
    %select_n3A_495 = arith.select %eq3A_490, %broadcast_in_dim3A_493, %broadcast_in_dim3A_494 : vector<512x512xi1>, vector<512x512xf32>
    %convert_element_type3A_496 = arith.truncf %select_n3A_495 : vector<512x512xf32> to vector<512x512xbf16>
    %dot_general3A_497 = arith.constant dense<0.000000e+00> : vector<512x32xf32>
    %dot_general3A_498 = tpu.matmul %convert_element_type3A_496, %get3A_485, %dot_general3A_497 {dimension_numbers = #tpu.dot_dimension_numbers<[1], [0], [0], [1], [0, 0, 1, 1], [], []>, transpose_lhs_hint = false} : vector<512x512xbf16>, vector<512x32xbf16>, vector<512x32xf32> -> vector<512x32xf32>
    %add3A_499 = arith.addf %add3A_465, %dot_general3A_498 : vector<512x32xf32>
    %broadcast_in_dim3A_500 = vector.shape_cast %get3A_482 : vector<512xf32> to vector<1x512xf32>
    %jit3A_501 = arith.constant 0xFF800000 : f32
    %broadcast_in_dim3A_502 = vector.shape_cast %broadcast_in_dim3A_500 : vector<1x512xf32> to vector<1x512xf32>
    %broadcast_in_dim3A_503 = vector.broadcast %broadcast_in_dim3A_502 : vector<1x512xf32> to vector<512x512xf32>
    %broadcast_in_dim3A_504 = vector.broadcast %jit3A_501 : f32 to vector<512x512xf32>
    %select_n3A_505 = arith.select %eq3A_490, %broadcast_in_dim3A_503, %broadcast_in_dim3A_504 : vector<512x512xi1>, vector<512x512xf32>
    %reduce_max3A_506 = arith.constant dense<0xFF800000> : vector<512xf32>
    %reduce_max3A_507 = vector.multi_reduction <maximumf>, %select_n3A_505, %reduce_max3A_506 [1] : vector<512x512xf32> to vector<512xf32>
    %max3A_508 = arith.maximumf %max3A_474, %reduce_max3A_507 : vector<512xf32>
    %get3A_509 = arith.constant 15 : index
    %get3A_510 = arith.constant 0 : index
    %get3A_511 = vector.load %arg2[%get3A_509, %get3A_510] : memref<32x512xi32, #tpu.memory_space<vmem>>, vector<1x512xi32>
    %get3A_512 = vector.shape_cast %get3A_511 : vector<1x512xi32> to vector<512xi32>
    %get3A_513 = arith.constant 15 : index
    %get3A_514 = arith.constant 0 : index
    %get3A_515 = vector.load %arg3[%get3A_513, %get3A_514] : memref<32x512xf32, #tpu.memory_space<vmem>>, vector<1x512xf32>
    %get3A_516 = vector.shape_cast %get3A_515 : vector<1x512xf32> to vector<512xf32>
    %get3A_517 = arith.constant 7680 : index
    %get3A_518 = arith.constant 0 : index
    %get3A_519 = vector.load %arg4[%get3A_517, %get3A_518] : memref<16384x32xbf16, #tpu.memory_space<vmem>>, vector<512x32xbf16>
    %broadcast_in_dim3A_520 = vector.shape_cast %get3A_3 : vector<512xi32> to vector<512x1xi32>
    %broadcast_in_dim3A_521 = vector.shape_cast %get3A_512 : vector<512xi32> to vector<1x512xi32>
    %eq3A_522 = vector.broadcast %broadcast_in_dim3A_520 : vector<512x1xi32> to vector<512x512xi32>
    %eq3A_523 = vector.broadcast %broadcast_in_dim3A_521 : vector<1x512xi32> to vector<512x512xi32>
    %eq3A_524 = arith.cmpi eq, %eq3A_522, %eq3A_523 : vector<512x512xi32>
    %jit3A_525 = arith.constant 1.000000e+00 : f32
    %jit3A_526 = arith.constant 0.000000e+00 : f32
    %broadcast_in_dim3A_527 = vector.broadcast %jit3A_525 : f32 to vector<512x512xf32>
    %broadcast_in_dim3A_528 = vector.broadcast %jit3A_526 : f32 to vector<512x512xf32>
    %select_n3A_529 = arith.select %eq3A_524, %broadcast_in_dim3A_527, %broadcast_in_dim3A_528 : vector<512x512xi1>, vector<512x512xf32>
    %convert_element_type3A_530 = arith.truncf %select_n3A_529 : vector<512x512xf32> to vector<512x512xbf16>
    %dot_general3A_531 = arith.constant dense<0.000000e+00> : vector<512x32xf32>
    %dot_general3A_532 = tpu.matmul %convert_element_type3A_530, %get3A_519, %dot_general3A_531 {dimension_numbers = #tpu.dot_dimension_numbers<[1], [0], [0], [1], [0, 0, 1, 1], [], []>, transpose_lhs_hint = false} : vector<512x512xbf16>, vector<512x32xbf16>, vector<512x32xf32> -> vector<512x32xf32>
    %add3A_533 = arith.addf %add3A_499, %dot_general3A_532 : vector<512x32xf32>
    %broadcast_in_dim3A_534 = vector.shape_cast %get3A_516 : vector<512xf32> to vector<1x512xf32>
    %jit3A_535 = arith.constant 0xFF800000 : f32
    %broadcast_in_dim3A_536 = vector.shape_cast %broadcast_in_dim3A_534 : vector<1x512xf32> to vector<1x512xf32>
    %broadcast_in_dim3A_537 = vector.broadcast %broadcast_in_dim3A_536 : vector<1x512xf32> to vector<512x512xf32>
    %broadcast_in_dim3A_538 = vector.broadcast %jit3A_535 : f32 to vector<512x512xf32>
    %select_n3A_539 = arith.select %eq3A_524, %broadcast_in_dim3A_537, %broadcast_in_dim3A_538 : vector<512x512xi1>, vector<512x512xf32>
    %reduce_max3A_540 = arith.constant dense<0xFF800000> : vector<512xf32>
    %reduce_max3A_541 = vector.multi_reduction <maximumf>, %select_n3A_539, %reduce_max3A_540 [1] : vector<512x512xf32> to vector<512xf32>
    %max3A_542 = arith.maximumf %max3A_508, %reduce_max3A_541 : vector<512xf32>
    %get3A_543 = arith.constant 16 : index
    %get3A_544 = arith.constant 0 : index
    %get3A_545 = vector.load %arg2[%get3A_543, %get3A_544] : memref<32x512xi32, #tpu.memory_space<vmem>>, vector<1x512xi32>
    %get3A_546 = vector.shape_cast %get3A_545 : vector<1x512xi32> to vector<512xi32>
    %get3A_547 = arith.constant 16 : index
    %get3A_548 = arith.constant 0 : index
    %get3A_549 = vector.load %arg3[%get3A_547, %get3A_548] : memref<32x512xf32, #tpu.memory_space<vmem>>, vector<1x512xf32>
    %get3A_550 = vector.shape_cast %get3A_549 : vector<1x512xf32> to vector<512xf32>
    %get3A_551 = arith.constant 8192 : index
    %get3A_552 = arith.constant 0 : index
    %get3A_553 = vector.load %arg4[%get3A_551, %get3A_552] : memref<16384x32xbf16, #tpu.memory_space<vmem>>, vector<512x32xbf16>
    %broadcast_in_dim3A_554 = vector.shape_cast %get3A_3 : vector<512xi32> to vector<512x1xi32>
    %broadcast_in_dim3A_555 = vector.shape_cast %get3A_546 : vector<512xi32> to vector<1x512xi32>
    %eq3A_556 = vector.broadcast %broadcast_in_dim3A_554 : vector<512x1xi32> to vector<512x512xi32>
    %eq3A_557 = vector.broadcast %broadcast_in_dim3A_555 : vector<1x512xi32> to vector<512x512xi32>
    %eq3A_558 = arith.cmpi eq, %eq3A_556, %eq3A_557 : vector<512x512xi32>
    %jit3A_559 = arith.constant 1.000000e+00 : f32
    %jit3A_560 = arith.constant 0.000000e+00 : f32
    %broadcast_in_dim3A_561 = vector.broadcast %jit3A_559 : f32 to vector<512x512xf32>
    %broadcast_in_dim3A_562 = vector.broadcast %jit3A_560 : f32 to vector<512x512xf32>
    %select_n3A_563 = arith.select %eq3A_558, %broadcast_in_dim3A_561, %broadcast_in_dim3A_562 : vector<512x512xi1>, vector<512x512xf32>
    %convert_element_type3A_564 = arith.truncf %select_n3A_563 : vector<512x512xf32> to vector<512x512xbf16>
    %dot_general3A_565 = arith.constant dense<0.000000e+00> : vector<512x32xf32>
    %dot_general3A_566 = tpu.matmul %convert_element_type3A_564, %get3A_553, %dot_general3A_565 {dimension_numbers = #tpu.dot_dimension_numbers<[1], [0], [0], [1], [0, 0, 1, 1], [], []>, transpose_lhs_hint = false} : vector<512x512xbf16>, vector<512x32xbf16>, vector<512x32xf32> -> vector<512x32xf32>
    %add3A_567 = arith.addf %add3A_533, %dot_general3A_566 : vector<512x32xf32>
    %broadcast_in_dim3A_568 = vector.shape_cast %get3A_550 : vector<512xf32> to vector<1x512xf32>
    %jit3A_569 = arith.constant 0xFF800000 : f32
    %broadcast_in_dim3A_570 = vector.shape_cast %broadcast_in_dim3A_568 : vector<1x512xf32> to vector<1x512xf32>
    %broadcast_in_dim3A_571 = vector.broadcast %broadcast_in_dim3A_570 : vector<1x512xf32> to vector<512x512xf32>
    %broadcast_in_dim3A_572 = vector.broadcast %jit3A_569 : f32 to vector<512x512xf32>
    %select_n3A_573 = arith.select %eq3A_558, %broadcast_in_dim3A_571, %broadcast_in_dim3A_572 : vector<512x512xi1>, vector<512x512xf32>
    %reduce_max3A_574 = arith.constant dense<0xFF800000> : vector<512xf32>
    %reduce_max3A_575 = vector.multi_reduction <maximumf>, %select_n3A_573, %reduce_max3A_574 [1] : vector<512x512xf32> to vector<512xf32>
    %max3A_576 = arith.maximumf %max3A_542, %reduce_max3A_575 : vector<512xf32>
    %get3A_577 = arith.constant 17 : index
    %get3A_578 = arith.constant 0 : index
    %get3A_579 = vector.load %arg2[%get3A_577, %get3A_578] : memref<32x512xi32, #tpu.memory_space<vmem>>, vector<1x512xi32>
    %get3A_580 = vector.shape_cast %get3A_579 : vector<1x512xi32> to vector<512xi32>
    %get3A_581 = arith.constant 17 : index
    %get3A_582 = arith.constant 0 : index
    %get3A_583 = vector.load %arg3[%get3A_581, %get3A_582] : memref<32x512xf32, #tpu.memory_space<vmem>>, vector<1x512xf32>
    %get3A_584 = vector.shape_cast %get3A_583 : vector<1x512xf32> to vector<512xf32>
    %get3A_585 = arith.constant 8704 : index
    %get3A_586 = arith.constant 0 : index
    %get3A_587 = vector.load %arg4[%get3A_585, %get3A_586] : memref<16384x32xbf16, #tpu.memory_space<vmem>>, vector<512x32xbf16>
    %broadcast_in_dim3A_588 = vector.shape_cast %get3A_3 : vector<512xi32> to vector<512x1xi32>
    %broadcast_in_dim3A_589 = vector.shape_cast %get3A_580 : vector<512xi32> to vector<1x512xi32>
    %eq3A_590 = vector.broadcast %broadcast_in_dim3A_588 : vector<512x1xi32> to vector<512x512xi32>
    %eq3A_591 = vector.broadcast %broadcast_in_dim3A_589 : vector<1x512xi32> to vector<512x512xi32>
    %eq3A_592 = arith.cmpi eq, %eq3A_590, %eq3A_591 : vector<512x512xi32>
    %jit3A_593 = arith.constant 1.000000e+00 : f32
    %jit3A_594 = arith.constant 0.000000e+00 : f32
    %broadcast_in_dim3A_595 = vector.broadcast %jit3A_593 : f32 to vector<512x512xf32>
    %broadcast_in_dim3A_596 = vector.broadcast %jit3A_594 : f32 to vector<512x512xf32>
    %select_n3A_597 = arith.select %eq3A_592, %broadcast_in_dim3A_595, %broadcast_in_dim3A_596 : vector<512x512xi1>, vector<512x512xf32>
    %convert_element_type3A_598 = arith.truncf %select_n3A_597 : vector<512x512xf32> to vector<512x512xbf16>
    %dot_general3A_599 = arith.constant dense<0.000000e+00> : vector<512x32xf32>
    %dot_general3A_600 = tpu.matmul %convert_element_type3A_598, %get3A_587, %dot_general3A_599 {dimension_numbers = #tpu.dot_dimension_numbers<[1], [0], [0], [1], [0, 0, 1, 1], [], []>, transpose_lhs_hint = false} : vector<512x512xbf16>, vector<512x32xbf16>, vector<512x32xf32> -> vector<512x32xf32>
    %add3A_601 = arith.addf %add3A_567, %dot_general3A_600 : vector<512x32xf32>
    %broadcast_in_dim3A_602 = vector.shape_cast %get3A_584 : vector<512xf32> to vector<1x512xf32>
    %jit3A_603 = arith.constant 0xFF800000 : f32
    %broadcast_in_dim3A_604 = vector.shape_cast %broadcast_in_dim3A_602 : vector<1x512xf32> to vector<1x512xf32>
    %broadcast_in_dim3A_605 = vector.broadcast %broadcast_in_dim3A_604 : vector<1x512xf32> to vector<512x512xf32>
    %broadcast_in_dim3A_606 = vector.broadcast %jit3A_603 : f32 to vector<512x512xf32>
    %select_n3A_607 = arith.select %eq3A_592, %broadcast_in_dim3A_605, %broadcast_in_dim3A_606 : vector<512x512xi1>, vector<512x512xf32>
    %reduce_max3A_608 = arith.constant dense<0xFF800000> : vector<512xf32>
    %reduce_max3A_609 = vector.multi_reduction <maximumf>, %select_n3A_607, %reduce_max3A_608 [1] : vector<512x512xf32> to vector<512xf32>
    %max3A_610 = arith.maximumf %max3A_576, %reduce_max3A_609 : vector<512xf32>
    %get3A_611 = arith.constant 18 : index
    %get3A_612 = arith.constant 0 : index
    %get3A_613 = vector.load %arg2[%get3A_611, %get3A_612] : memref<32x512xi32, #tpu.memory_space<vmem>>, vector<1x512xi32>
    %get3A_614 = vector.shape_cast %get3A_613 : vector<1x512xi32> to vector<512xi32>
    %get3A_615 = arith.constant 18 : index
    %get3A_616 = arith.constant 0 : index
    %get3A_617 = vector.load %arg3[%get3A_615, %get3A_616] : memref<32x512xf32, #tpu.memory_space<vmem>>, vector<1x512xf32>
    %get3A_618 = vector.shape_cast %get3A_617 : vector<1x512xf32> to vector<512xf32>
    %get3A_619 = arith.constant 9216 : index
    %get3A_620 = arith.constant 0 : index
    %get3A_621 = vector.load %arg4[%get3A_619, %get3A_620] : memref<16384x32xbf16, #tpu.memory_space<vmem>>, vector<512x32xbf16>
    %broadcast_in_dim3A_622 = vector.shape_cast %get3A_3 : vector<512xi32> to vector<512x1xi32>
    %broadcast_in_dim3A_623 = vector.shape_cast %get3A_614 : vector<512xi32> to vector<1x512xi32>
    %eq3A_624 = vector.broadcast %broadcast_in_dim3A_622 : vector<512x1xi32> to vector<512x512xi32>
    %eq3A_625 = vector.broadcast %broadcast_in_dim3A_623 : vector<1x512xi32> to vector<512x512xi32>
    %eq3A_626 = arith.cmpi eq, %eq3A_624, %eq3A_625 : vector<512x512xi32>
    %jit3A_627 = arith.constant 1.000000e+00 : f32
    %jit3A_628 = arith.constant 0.000000e+00 : f32
    %broadcast_in_dim3A_629 = vector.broadcast %jit3A_627 : f32 to vector<512x512xf32>
    %broadcast_in_dim3A_630 = vector.broadcast %jit3A_628 : f32 to vector<512x512xf32>
    %select_n3A_631 = arith.select %eq3A_626, %broadcast_in_dim3A_629, %broadcast_in_dim3A_630 : vector<512x512xi1>, vector<512x512xf32>
    %convert_element_type3A_632 = arith.truncf %select_n3A_631 : vector<512x512xf32> to vector<512x512xbf16>
    %dot_general3A_633 = arith.constant dense<0.000000e+00> : vector<512x32xf32>
    %dot_general3A_634 = tpu.matmul %convert_element_type3A_632, %get3A_621, %dot_general3A_633 {dimension_numbers = #tpu.dot_dimension_numbers<[1], [0], [0], [1], [0, 0, 1, 1], [], []>, transpose_lhs_hint = false} : vector<512x512xbf16>, vector<512x32xbf16>, vector<512x32xf32> -> vector<512x32xf32>
    %add3A_635 = arith.addf %add3A_601, %dot_general3A_634 : vector<512x32xf32>
    %broadcast_in_dim3A_636 = vector.shape_cast %get3A_618 : vector<512xf32> to vector<1x512xf32>
    %jit3A_637 = arith.constant 0xFF800000 : f32
    %broadcast_in_dim3A_638 = vector.shape_cast %broadcast_in_dim3A_636 : vector<1x512xf32> to vector<1x512xf32>
    %broadcast_in_dim3A_639 = vector.broadcast %broadcast_in_dim3A_638 : vector<1x512xf32> to vector<512x512xf32>
    %broadcast_in_dim3A_640 = vector.broadcast %jit3A_637 : f32 to vector<512x512xf32>
    %select_n3A_641 = arith.select %eq3A_626, %broadcast_in_dim3A_639, %broadcast_in_dim3A_640 : vector<512x512xi1>, vector<512x512xf32>
    %reduce_max3A_642 = arith.constant dense<0xFF800000> : vector<512xf32>
    %reduce_max3A_643 = vector.multi_reduction <maximumf>, %select_n3A_641, %reduce_max3A_642 [1] : vector<512x512xf32> to vector<512xf32>
    %max3A_644 = arith.maximumf %max3A_610, %reduce_max3A_643 : vector<512xf32>
    %get3A_645 = arith.constant 19 : index
    %get3A_646 = arith.constant 0 : index
    %get3A_647 = vector.load %arg2[%get3A_645, %get3A_646] : memref<32x512xi32, #tpu.memory_space<vmem>>, vector<1x512xi32>
    %get3A_648 = vector.shape_cast %get3A_647 : vector<1x512xi32> to vector<512xi32>
    %get3A_649 = arith.constant 19 : index
    %get3A_650 = arith.constant 0 : index
    %get3A_651 = vector.load %arg3[%get3A_649, %get3A_650] : memref<32x512xf32, #tpu.memory_space<vmem>>, vector<1x512xf32>
    %get3A_652 = vector.shape_cast %get3A_651 : vector<1x512xf32> to vector<512xf32>
    %get3A_653 = arith.constant 9728 : index
    %get3A_654 = arith.constant 0 : index
    %get3A_655 = vector.load %arg4[%get3A_653, %get3A_654] : memref<16384x32xbf16, #tpu.memory_space<vmem>>, vector<512x32xbf16>
    %broadcast_in_dim3A_656 = vector.shape_cast %get3A_3 : vector<512xi32> to vector<512x1xi32>
    %broadcast_in_dim3A_657 = vector.shape_cast %get3A_648 : vector<512xi32> to vector<1x512xi32>
    %eq3A_658 = vector.broadcast %broadcast_in_dim3A_656 : vector<512x1xi32> to vector<512x512xi32>
    %eq3A_659 = vector.broadcast %broadcast_in_dim3A_657 : vector<1x512xi32> to vector<512x512xi32>
    %eq3A_660 = arith.cmpi eq, %eq3A_658, %eq3A_659 : vector<512x512xi32>
    %jit3A_661 = arith.constant 1.000000e+00 : f32
    %jit3A_662 = arith.constant 0.000000e+00 : f32
    %broadcast_in_dim3A_663 = vector.broadcast %jit3A_661 : f32 to vector<512x512xf32>
    %broadcast_in_dim3A_664 = vector.broadcast %jit3A_662 : f32 to vector<512x512xf32>
    %select_n3A_665 = arith.select %eq3A_660, %broadcast_in_dim3A_663, %broadcast_in_dim3A_664 : vector<512x512xi1>, vector<512x512xf32>
    %convert_element_type3A_666 = arith.truncf %select_n3A_665 : vector<512x512xf32> to vector<512x512xbf16>
    %dot_general3A_667 = arith.constant dense<0.000000e+00> : vector<512x32xf32>
    %dot_general3A_668 = tpu.matmul %convert_element_type3A_666, %get3A_655, %dot_general3A_667 {dimension_numbers = #tpu.dot_dimension_numbers<[1], [0], [0], [1], [0, 0, 1, 1], [], []>, transpose_lhs_hint = false} : vector<512x512xbf16>, vector<512x32xbf16>, vector<512x32xf32> -> vector<512x32xf32>
    %add3A_669 = arith.addf %add3A_635, %dot_general3A_668 : vector<512x32xf32>
    %broadcast_in_dim3A_670 = vector.shape_cast %get3A_652 : vector<512xf32> to vector<1x512xf32>
    %jit3A_671 = arith.constant 0xFF800000 : f32
    %broadcast_in_dim3A_672 = vector.shape_cast %broadcast_in_dim3A_670 : vector<1x512xf32> to vector<1x512xf32>
    %broadcast_in_dim3A_673 = vector.broadcast %broadcast_in_dim3A_672 : vector<1x512xf32> to vector<512x512xf32>
    %broadcast_in_dim3A_674 = vector.broadcast %jit3A_671 : f32 to vector<512x512xf32>
    %select_n3A_675 = arith.select %eq3A_660, %broadcast_in_dim3A_673, %broadcast_in_dim3A_674 : vector<512x512xi1>, vector<512x512xf32>
    %reduce_max3A_676 = arith.constant dense<0xFF800000> : vector<512xf32>
    %reduce_max3A_677 = vector.multi_reduction <maximumf>, %select_n3A_675, %reduce_max3A_676 [1] : vector<512x512xf32> to vector<512xf32>
    %max3A_678 = arith.maximumf %max3A_644, %reduce_max3A_677 : vector<512xf32>
    %get3A_679 = arith.constant 20 : index
    %get3A_680 = arith.constant 0 : index
    %get3A_681 = vector.load %arg2[%get3A_679, %get3A_680] : memref<32x512xi32, #tpu.memory_space<vmem>>, vector<1x512xi32>
    %get3A_682 = vector.shape_cast %get3A_681 : vector<1x512xi32> to vector<512xi32>
    %get3A_683 = arith.constant 20 : index
    %get3A_684 = arith.constant 0 : index
    %get3A_685 = vector.load %arg3[%get3A_683, %get3A_684] : memref<32x512xf32, #tpu.memory_space<vmem>>, vector<1x512xf32>
    %get3A_686 = vector.shape_cast %get3A_685 : vector<1x512xf32> to vector<512xf32>
    %get3A_687 = arith.constant 10240 : index
    %get3A_688 = arith.constant 0 : index
    %get3A_689 = vector.load %arg4[%get3A_687, %get3A_688] : memref<16384x32xbf16, #tpu.memory_space<vmem>>, vector<512x32xbf16>
    %broadcast_in_dim3A_690 = vector.shape_cast %get3A_3 : vector<512xi32> to vector<512x1xi32>
    %broadcast_in_dim3A_691 = vector.shape_cast %get3A_682 : vector<512xi32> to vector<1x512xi32>
    %eq3A_692 = vector.broadcast %broadcast_in_dim3A_690 : vector<512x1xi32> to vector<512x512xi32>
    %eq3A_693 = vector.broadcast %broadcast_in_dim3A_691 : vector<1x512xi32> to vector<512x512xi32>
    %eq3A_694 = arith.cmpi eq, %eq3A_692, %eq3A_693 : vector<512x512xi32>
    %jit3A_695 = arith.constant 1.000000e+00 : f32
    %jit3A_696 = arith.constant 0.000000e+00 : f32
    %broadcast_in_dim3A_697 = vector.broadcast %jit3A_695 : f32 to vector<512x512xf32>
    %broadcast_in_dim3A_698 = vector.broadcast %jit3A_696 : f32 to vector<512x512xf32>
    %select_n3A_699 = arith.select %eq3A_694, %broadcast_in_dim3A_697, %broadcast_in_dim3A_698 : vector<512x512xi1>, vector<512x512xf32>
    %convert_element_type3A_700 = arith.truncf %select_n3A_699 : vector<512x512xf32> to vector<512x512xbf16>
    %dot_general3A_701 = arith.constant dense<0.000000e+00> : vector<512x32xf32>
    %dot_general3A_702 = tpu.matmul %convert_element_type3A_700, %get3A_689, %dot_general3A_701 {dimension_numbers = #tpu.dot_dimension_numbers<[1], [0], [0], [1], [0, 0, 1, 1], [], []>, transpose_lhs_hint = false} : vector<512x512xbf16>, vector<512x32xbf16>, vector<512x32xf32> -> vector<512x32xf32>
    %add3A_703 = arith.addf %add3A_669, %dot_general3A_702 : vector<512x32xf32>
    %broadcast_in_dim3A_704 = vector.shape_cast %get3A_686 : vector<512xf32> to vector<1x512xf32>
    %jit3A_705 = arith.constant 0xFF800000 : f32
    %broadcast_in_dim3A_706 = vector.shape_cast %broadcast_in_dim3A_704 : vector<1x512xf32> to vector<1x512xf32>
    %broadcast_in_dim3A_707 = vector.broadcast %broadcast_in_dim3A_706 : vector<1x512xf32> to vector<512x512xf32>
    %broadcast_in_dim3A_708 = vector.broadcast %jit3A_705 : f32 to vector<512x512xf32>
    %select_n3A_709 = arith.select %eq3A_694, %broadcast_in_dim3A_707, %broadcast_in_dim3A_708 : vector<512x512xi1>, vector<512x512xf32>
    %reduce_max3A_710 = arith.constant dense<0xFF800000> : vector<512xf32>
    %reduce_max3A_711 = vector.multi_reduction <maximumf>, %select_n3A_709, %reduce_max3A_710 [1] : vector<512x512xf32> to vector<512xf32>
    %max3A_712 = arith.maximumf %max3A_678, %reduce_max3A_711 : vector<512xf32>
    %get3A_713 = arith.constant 21 : index
    %get3A_714 = arith.constant 0 : index
    %get3A_715 = vector.load %arg2[%get3A_713, %get3A_714] : memref<32x512xi32, #tpu.memory_space<vmem>>, vector<1x512xi32>
    %get3A_716 = vector.shape_cast %get3A_715 : vector<1x512xi32> to vector<512xi32>
    %get3A_717 = arith.constant 21 : index
    %get3A_718 = arith.constant 0 : index
    %get3A_719 = vector.load %arg3[%get3A_717, %get3A_718] : memref<32x512xf32, #tpu.memory_space<vmem>>, vector<1x512xf32>
    %get3A_720 = vector.shape_cast %get3A_719 : vector<1x512xf32> to vector<512xf32>
    %get3A_721 = arith.constant 10752 : index
    %get3A_722 = arith.constant 0 : index
    %get3A_723 = vector.load %arg4[%get3A_721, %get3A_722] : memref<16384x32xbf16, #tpu.memory_space<vmem>>, vector<512x32xbf16>
    %broadcast_in_dim3A_724 = vector.shape_cast %get3A_3 : vector<512xi32> to vector<512x1xi32>
    %broadcast_in_dim3A_725 = vector.shape_cast %get3A_716 : vector<512xi32> to vector<1x512xi32>
    %eq3A_726 = vector.broadcast %broadcast_in_dim3A_724 : vector<512x1xi32> to vector<512x512xi32>
    %eq3A_727 = vector.broadcast %broadcast_in_dim3A_725 : vector<1x512xi32> to vector<512x512xi32>
    %eq3A_728 = arith.cmpi eq, %eq3A_726, %eq3A_727 : vector<512x512xi32>
    %jit3A_729 = arith.constant 1.000000e+00 : f32
    %jit3A_730 = arith.constant 0.000000e+00 : f32
    %broadcast_in_dim3A_731 = vector.broadcast %jit3A_729 : f32 to vector<512x512xf32>
    %broadcast_in_dim3A_732 = vector.broadcast %jit3A_730 : f32 to vector<512x512xf32>
    %select_n3A_733 = arith.select %eq3A_728, %broadcast_in_dim3A_731, %broadcast_in_dim3A_732 : vector<512x512xi1>, vector<512x512xf32>
    %convert_element_type3A_734 = arith.truncf %select_n3A_733 : vector<512x512xf32> to vector<512x512xbf16>
    %dot_general3A_735 = arith.constant dense<0.000000e+00> : vector<512x32xf32>
    %dot_general3A_736 = tpu.matmul %convert_element_type3A_734, %get3A_723, %dot_general3A_735 {dimension_numbers = #tpu.dot_dimension_numbers<[1], [0], [0], [1], [0, 0, 1, 1], [], []>, transpose_lhs_hint = false} : vector<512x512xbf16>, vector<512x32xbf16>, vector<512x32xf32> -> vector<512x32xf32>
    %add3A_737 = arith.addf %add3A_703, %dot_general3A_736 : vector<512x32xf32>
    %broadcast_in_dim3A_738 = vector.shape_cast %get3A_720 : vector<512xf32> to vector<1x512xf32>
    %jit3A_739 = arith.constant 0xFF800000 : f32
    %broadcast_in_dim3A_740 = vector.shape_cast %broadcast_in_dim3A_738 : vector<1x512xf32> to vector<1x512xf32>
    %broadcast_in_dim3A_741 = vector.broadcast %broadcast_in_dim3A_740 : vector<1x512xf32> to vector<512x512xf32>
    %broadcast_in_dim3A_742 = vector.broadcast %jit3A_739 : f32 to vector<512x512xf32>
    %select_n3A_743 = arith.select %eq3A_728, %broadcast_in_dim3A_741, %broadcast_in_dim3A_742 : vector<512x512xi1>, vector<512x512xf32>
    %reduce_max3A_744 = arith.constant dense<0xFF800000> : vector<512xf32>
    %reduce_max3A_745 = vector.multi_reduction <maximumf>, %select_n3A_743, %reduce_max3A_744 [1] : vector<512x512xf32> to vector<512xf32>
    %max3A_746 = arith.maximumf %max3A_712, %reduce_max3A_745 : vector<512xf32>
    %get3A_747 = arith.constant 22 : index
    %get3A_748 = arith.constant 0 : index
    %get3A_749 = vector.load %arg2[%get3A_747, %get3A_748] : memref<32x512xi32, #tpu.memory_space<vmem>>, vector<1x512xi32>
    %get3A_750 = vector.shape_cast %get3A_749 : vector<1x512xi32> to vector<512xi32>
    %get3A_751 = arith.constant 22 : index
    %get3A_752 = arith.constant 0 : index
    %get3A_753 = vector.load %arg3[%get3A_751, %get3A_752] : memref<32x512xf32, #tpu.memory_space<vmem>>, vector<1x512xf32>
    %get3A_754 = vector.shape_cast %get3A_753 : vector<1x512xf32> to vector<512xf32>
    %get3A_755 = arith.constant 11264 : index
    %get3A_756 = arith.constant 0 : index
    %get3A_757 = vector.load %arg4[%get3A_755, %get3A_756] : memref<16384x32xbf16, #tpu.memory_space<vmem>>, vector<512x32xbf16>
    %broadcast_in_dim3A_758 = vector.shape_cast %get3A_3 : vector<512xi32> to vector<512x1xi32>
    %broadcast_in_dim3A_759 = vector.shape_cast %get3A_750 : vector<512xi32> to vector<1x512xi32>
    %eq3A_760 = vector.broadcast %broadcast_in_dim3A_758 : vector<512x1xi32> to vector<512x512xi32>
    %eq3A_761 = vector.broadcast %broadcast_in_dim3A_759 : vector<1x512xi32> to vector<512x512xi32>
    %eq3A_762 = arith.cmpi eq, %eq3A_760, %eq3A_761 : vector<512x512xi32>
    %jit3A_763 = arith.constant 1.000000e+00 : f32
    %jit3A_764 = arith.constant 0.000000e+00 : f32
    %broadcast_in_dim3A_765 = vector.broadcast %jit3A_763 : f32 to vector<512x512xf32>
    %broadcast_in_dim3A_766 = vector.broadcast %jit3A_764 : f32 to vector<512x512xf32>
    %select_n3A_767 = arith.select %eq3A_762, %broadcast_in_dim3A_765, %broadcast_in_dim3A_766 : vector<512x512xi1>, vector<512x512xf32>
    %convert_element_type3A_768 = arith.truncf %select_n3A_767 : vector<512x512xf32> to vector<512x512xbf16>
    %dot_general3A_769 = arith.constant dense<0.000000e+00> : vector<512x32xf32>
    %dot_general3A_770 = tpu.matmul %convert_element_type3A_768, %get3A_757, %dot_general3A_769 {dimension_numbers = #tpu.dot_dimension_numbers<[1], [0], [0], [1], [0, 0, 1, 1], [], []>, transpose_lhs_hint = false} : vector<512x512xbf16>, vector<512x32xbf16>, vector<512x32xf32> -> vector<512x32xf32>
    %add3A_771 = arith.addf %add3A_737, %dot_general3A_770 : vector<512x32xf32>
    %broadcast_in_dim3A_772 = vector.shape_cast %get3A_754 : vector<512xf32> to vector<1x512xf32>
    %jit3A_773 = arith.constant 0xFF800000 : f32
    %broadcast_in_dim3A_774 = vector.shape_cast %broadcast_in_dim3A_772 : vector<1x512xf32> to vector<1x512xf32>
    %broadcast_in_dim3A_775 = vector.broadcast %broadcast_in_dim3A_774 : vector<1x512xf32> to vector<512x512xf32>
    %broadcast_in_dim3A_776 = vector.broadcast %jit3A_773 : f32 to vector<512x512xf32>
    %select_n3A_777 = arith.select %eq3A_762, %broadcast_in_dim3A_775, %broadcast_in_dim3A_776 : vector<512x512xi1>, vector<512x512xf32>
    %reduce_max3A_778 = arith.constant dense<0xFF800000> : vector<512xf32>
    %reduce_max3A_779 = vector.multi_reduction <maximumf>, %select_n3A_777, %reduce_max3A_778 [1] : vector<512x512xf32> to vector<512xf32>
    %max3A_780 = arith.maximumf %max3A_746, %reduce_max3A_779 : vector<512xf32>
    %get3A_781 = arith.constant 23 : index
    %get3A_782 = arith.constant 0 : index
    %get3A_783 = vector.load %arg2[%get3A_781, %get3A_782] : memref<32x512xi32, #tpu.memory_space<vmem>>, vector<1x512xi32>
    %get3A_784 = vector.shape_cast %get3A_783 : vector<1x512xi32> to vector<512xi32>
    %get3A_785 = arith.constant 23 : index
    %get3A_786 = arith.constant 0 : index
    %get3A_787 = vector.load %arg3[%get3A_785, %get3A_786] : memref<32x512xf32, #tpu.memory_space<vmem>>, vector<1x512xf32>
    %get3A_788 = vector.shape_cast %get3A_787 : vector<1x512xf32> to vector<512xf32>
    %get3A_789 = arith.constant 11776 : index
    %get3A_790 = arith.constant 0 : index
    %get3A_791 = vector.load %arg4[%get3A_789, %get3A_790] : memref<16384x32xbf16, #tpu.memory_space<vmem>>, vector<512x32xbf16>
    %broadcast_in_dim3A_792 = vector.shape_cast %get3A_3 : vector<512xi32> to vector<512x1xi32>
    %broadcast_in_dim3A_793 = vector.shape_cast %get3A_784 : vector<512xi32> to vector<1x512xi32>
    %eq3A_794 = vector.broadcast %broadcast_in_dim3A_792 : vector<512x1xi32> to vector<512x512xi32>
    %eq3A_795 = vector.broadcast %broadcast_in_dim3A_793 : vector<1x512xi32> to vector<512x512xi32>
    %eq3A_796 = arith.cmpi eq, %eq3A_794, %eq3A_795 : vector<512x512xi32>
    %jit3A_797 = arith.constant 1.000000e+00 : f32
    %jit3A_798 = arith.constant 0.000000e+00 : f32
    %broadcast_in_dim3A_799 = vector.broadcast %jit3A_797 : f32 to vector<512x512xf32>
    %broadcast_in_dim3A_800 = vector.broadcast %jit3A_798 : f32 to vector<512x512xf32>
    %select_n3A_801 = arith.select %eq3A_796, %broadcast_in_dim3A_799, %broadcast_in_dim3A_800 : vector<512x512xi1>, vector<512x512xf32>
    %convert_element_type3A_802 = arith.truncf %select_n3A_801 : vector<512x512xf32> to vector<512x512xbf16>
    %dot_general3A_803 = arith.constant dense<0.000000e+00> : vector<512x32xf32>
    %dot_general3A_804 = tpu.matmul %convert_element_type3A_802, %get3A_791, %dot_general3A_803 {dimension_numbers = #tpu.dot_dimension_numbers<[1], [0], [0], [1], [0, 0, 1, 1], [], []>, transpose_lhs_hint = false} : vector<512x512xbf16>, vector<512x32xbf16>, vector<512x32xf32> -> vector<512x32xf32>
    %add3A_805 = arith.addf %add3A_771, %dot_general3A_804 : vector<512x32xf32>
    %broadcast_in_dim3A_806 = vector.shape_cast %get3A_788 : vector<512xf32> to vector<1x512xf32>
    %jit3A_807 = arith.constant 0xFF800000 : f32
    %broadcast_in_dim3A_808 = vector.shape_cast %broadcast_in_dim3A_806 : vector<1x512xf32> to vector<1x512xf32>
    %broadcast_in_dim3A_809 = vector.broadcast %broadcast_in_dim3A_808 : vector<1x512xf32> to vector<512x512xf32>
    %broadcast_in_dim3A_810 = vector.broadcast %jit3A_807 : f32 to vector<512x512xf32>
    %select_n3A_811 = arith.select %eq3A_796, %broadcast_in_dim3A_809, %broadcast_in_dim3A_810 : vector<512x512xi1>, vector<512x512xf32>
    %reduce_max3A_812 = arith.constant dense<0xFF800000> : vector<512xf32>
    %reduce_max3A_813 = vector.multi_reduction <maximumf>, %select_n3A_811, %reduce_max3A_812 [1] : vector<512x512xf32> to vector<512xf32>
    %max3A_814 = arith.maximumf %max3A_780, %reduce_max3A_813 : vector<512xf32>
    %get3A_815 = arith.constant 24 : index
    %get3A_816 = arith.constant 0 : index
    %get3A_817 = vector.load %arg2[%get3A_815, %get3A_816] : memref<32x512xi32, #tpu.memory_space<vmem>>, vector<1x512xi32>
    %get3A_818 = vector.shape_cast %get3A_817 : vector<1x512xi32> to vector<512xi32>
    %get3A_819 = arith.constant 24 : index
    %get3A_820 = arith.constant 0 : index
    %get3A_821 = vector.load %arg3[%get3A_819, %get3A_820] : memref<32x512xf32, #tpu.memory_space<vmem>>, vector<1x512xf32>
    %get3A_822 = vector.shape_cast %get3A_821 : vector<1x512xf32> to vector<512xf32>
    %get3A_823 = arith.constant 12288 : index
    %get3A_824 = arith.constant 0 : index
    %get3A_825 = vector.load %arg4[%get3A_823, %get3A_824] : memref<16384x32xbf16, #tpu.memory_space<vmem>>, vector<512x32xbf16>
    %broadcast_in_dim3A_826 = vector.shape_cast %get3A_3 : vector<512xi32> to vector<512x1xi32>
    %broadcast_in_dim3A_827 = vector.shape_cast %get3A_818 : vector<512xi32> to vector<1x512xi32>
    %eq3A_828 = vector.broadcast %broadcast_in_dim3A_826 : vector<512x1xi32> to vector<512x512xi32>
    %eq3A_829 = vector.broadcast %broadcast_in_dim3A_827 : vector<1x512xi32> to vector<512x512xi32>
    %eq3A_830 = arith.cmpi eq, %eq3A_828, %eq3A_829 : vector<512x512xi32>
    %jit3A_831 = arith.constant 1.000000e+00 : f32
    %jit3A_832 = arith.constant 0.000000e+00 : f32
    %broadcast_in_dim3A_833 = vector.broadcast %jit3A_831 : f32 to vector<512x512xf32>
    %broadcast_in_dim3A_834 = vector.broadcast %jit3A_832 : f32 to vector<512x512xf32>
    %select_n3A_835 = arith.select %eq3A_830, %broadcast_in_dim3A_833, %broadcast_in_dim3A_834 : vector<512x512xi1>, vector<512x512xf32>
    %convert_element_type3A_836 = arith.truncf %select_n3A_835 : vector<512x512xf32> to vector<512x512xbf16>
    %dot_general3A_837 = arith.constant dense<0.000000e+00> : vector<512x32xf32>
    %dot_general3A_838 = tpu.matmul %convert_element_type3A_836, %get3A_825, %dot_general3A_837 {dimension_numbers = #tpu.dot_dimension_numbers<[1], [0], [0], [1], [0, 0, 1, 1], [], []>, transpose_lhs_hint = false} : vector<512x512xbf16>, vector<512x32xbf16>, vector<512x32xf32> -> vector<512x32xf32>
    %add3A_839 = arith.addf %add3A_805, %dot_general3A_838 : vector<512x32xf32>
    %broadcast_in_dim3A_840 = vector.shape_cast %get3A_822 : vector<512xf32> to vector<1x512xf32>
    %jit3A_841 = arith.constant 0xFF800000 : f32
    %broadcast_in_dim3A_842 = vector.shape_cast %broadcast_in_dim3A_840 : vector<1x512xf32> to vector<1x512xf32>
    %broadcast_in_dim3A_843 = vector.broadcast %broadcast_in_dim3A_842 : vector<1x512xf32> to vector<512x512xf32>
    %broadcast_in_dim3A_844 = vector.broadcast %jit3A_841 : f32 to vector<512x512xf32>
    %select_n3A_845 = arith.select %eq3A_830, %broadcast_in_dim3A_843, %broadcast_in_dim3A_844 : vector<512x512xi1>, vector<512x512xf32>
    %reduce_max3A_846 = arith.constant dense<0xFF800000> : vector<512xf32>
    %reduce_max3A_847 = vector.multi_reduction <maximumf>, %select_n3A_845, %reduce_max3A_846 [1] : vector<512x512xf32> to vector<512xf32>
    %max3A_848 = arith.maximumf %max3A_814, %reduce_max3A_847 : vector<512xf32>
    %get3A_849 = arith.constant 25 : index
    %get3A_850 = arith.constant 0 : index
    %get3A_851 = vector.load %arg2[%get3A_849, %get3A_850] : memref<32x512xi32, #tpu.memory_space<vmem>>, vector<1x512xi32>
    %get3A_852 = vector.shape_cast %get3A_851 : vector<1x512xi32> to vector<512xi32>
    %get3A_853 = arith.constant 25 : index
    %get3A_854 = arith.constant 0 : index
    %get3A_855 = vector.load %arg3[%get3A_853, %get3A_854] : memref<32x512xf32, #tpu.memory_space<vmem>>, vector<1x512xf32>
    %get3A_856 = vector.shape_cast %get3A_855 : vector<1x512xf32> to vector<512xf32>
    %get3A_857 = arith.constant 12800 : index
    %get3A_858 = arith.constant 0 : index
    %get3A_859 = vector.load %arg4[%get3A_857, %get3A_858] : memref<16384x32xbf16, #tpu.memory_space<vmem>>, vector<512x32xbf16>
    %broadcast_in_dim3A_860 = vector.shape_cast %get3A_3 : vector<512xi32> to vector<512x1xi32>
    %broadcast_in_dim3A_861 = vector.shape_cast %get3A_852 : vector<512xi32> to vector<1x512xi32>
    %eq3A_862 = vector.broadcast %broadcast_in_dim3A_860 : vector<512x1xi32> to vector<512x512xi32>
    %eq3A_863 = vector.broadcast %broadcast_in_dim3A_861 : vector<1x512xi32> to vector<512x512xi32>
    %eq3A_864 = arith.cmpi eq, %eq3A_862, %eq3A_863 : vector<512x512xi32>
    %jit3A_865 = arith.constant 1.000000e+00 : f32
    %jit3A_866 = arith.constant 0.000000e+00 : f32
    %broadcast_in_dim3A_867 = vector.broadcast %jit3A_865 : f32 to vector<512x512xf32>
    %broadcast_in_dim3A_868 = vector.broadcast %jit3A_866 : f32 to vector<512x512xf32>
    %select_n3A_869 = arith.select %eq3A_864, %broadcast_in_dim3A_867, %broadcast_in_dim3A_868 : vector<512x512xi1>, vector<512x512xf32>
    %convert_element_type3A_870 = arith.truncf %select_n3A_869 : vector<512x512xf32> to vector<512x512xbf16>
    %dot_general3A_871 = arith.constant dense<0.000000e+00> : vector<512x32xf32>
    %dot_general3A_872 = tpu.matmul %convert_element_type3A_870, %get3A_859, %dot_general3A_871 {dimension_numbers = #tpu.dot_dimension_numbers<[1], [0], [0], [1], [0, 0, 1, 1], [], []>, transpose_lhs_hint = false} : vector<512x512xbf16>, vector<512x32xbf16>, vector<512x32xf32> -> vector<512x32xf32>
    %add3A_873 = arith.addf %add3A_839, %dot_general3A_872 : vector<512x32xf32>
    %broadcast_in_dim3A_874 = vector.shape_cast %get3A_856 : vector<512xf32> to vector<1x512xf32>
    %jit3A_875 = arith.constant 0xFF800000 : f32
    %broadcast_in_dim3A_876 = vector.shape_cast %broadcast_in_dim3A_874 : vector<1x512xf32> to vector<1x512xf32>
    %broadcast_in_dim3A_877 = vector.broadcast %broadcast_in_dim3A_876 : vector<1x512xf32> to vector<512x512xf32>
    %broadcast_in_dim3A_878 = vector.broadcast %jit3A_875 : f32 to vector<512x512xf32>
    %select_n3A_879 = arith.select %eq3A_864, %broadcast_in_dim3A_877, %broadcast_in_dim3A_878 : vector<512x512xi1>, vector<512x512xf32>
    %reduce_max3A_880 = arith.constant dense<0xFF800000> : vector<512xf32>
    %reduce_max3A_881 = vector.multi_reduction <maximumf>, %select_n3A_879, %reduce_max3A_880 [1] : vector<512x512xf32> to vector<512xf32>
    %max3A_882 = arith.maximumf %max3A_848, %reduce_max3A_881 : vector<512xf32>
    %get3A_883 = arith.constant 26 : index
    %get3A_884 = arith.constant 0 : index
    %get3A_885 = vector.load %arg2[%get3A_883, %get3A_884] : memref<32x512xi32, #tpu.memory_space<vmem>>, vector<1x512xi32>
    %get3A_886 = vector.shape_cast %get3A_885 : vector<1x512xi32> to vector<512xi32>
    %get3A_887 = arith.constant 26 : index
    %get3A_888 = arith.constant 0 : index
    %get3A_889 = vector.load %arg3[%get3A_887, %get3A_888] : memref<32x512xf32, #tpu.memory_space<vmem>>, vector<1x512xf32>
    %get3A_890 = vector.shape_cast %get3A_889 : vector<1x512xf32> to vector<512xf32>
    %get3A_891 = arith.constant 13312 : index
    %get3A_892 = arith.constant 0 : index
    %get3A_893 = vector.load %arg4[%get3A_891, %get3A_892] : memref<16384x32xbf16, #tpu.memory_space<vmem>>, vector<512x32xbf16>
    %broadcast_in_dim3A_894 = vector.shape_cast %get3A_3 : vector<512xi32> to vector<512x1xi32>
    %broadcast_in_dim3A_895 = vector.shape_cast %get3A_886 : vector<512xi32> to vector<1x512xi32>
    %eq3A_896 = vector.broadcast %broadcast_in_dim3A_894 : vector<512x1xi32> to vector<512x512xi32>
    %eq3A_897 = vector.broadcast %broadcast_in_dim3A_895 : vector<1x512xi32> to vector<512x512xi32>
    %eq3A_898 = arith.cmpi eq, %eq3A_896, %eq3A_897 : vector<512x512xi32>
    %jit3A_899 = arith.constant 1.000000e+00 : f32
    %jit3A_900 = arith.constant 0.000000e+00 : f32
    %broadcast_in_dim3A_901 = vector.broadcast %jit3A_899 : f32 to vector<512x512xf32>
    %broadcast_in_dim3A_902 = vector.broadcast %jit3A_900 : f32 to vector<512x512xf32>
    %select_n3A_903 = arith.select %eq3A_898, %broadcast_in_dim3A_901, %broadcast_in_dim3A_902 : vector<512x512xi1>, vector<512x512xf32>
    %convert_element_type3A_904 = arith.truncf %select_n3A_903 : vector<512x512xf32> to vector<512x512xbf16>
    %dot_general3A_905 = arith.constant dense<0.000000e+00> : vector<512x32xf32>
    %dot_general3A_906 = tpu.matmul %convert_element_type3A_904, %get3A_893, %dot_general3A_905 {dimension_numbers = #tpu.dot_dimension_numbers<[1], [0], [0], [1], [0, 0, 1, 1], [], []>, transpose_lhs_hint = false} : vector<512x512xbf16>, vector<512x32xbf16>, vector<512x32xf32> -> vector<512x32xf32>
    %add3A_907 = arith.addf %add3A_873, %dot_general3A_906 : vector<512x32xf32>
    %broadcast_in_dim3A_908 = vector.shape_cast %get3A_890 : vector<512xf32> to vector<1x512xf32>
    %jit3A_909 = arith.constant 0xFF800000 : f32
    %broadcast_in_dim3A_910 = vector.shape_cast %broadcast_in_dim3A_908 : vector<1x512xf32> to vector<1x512xf32>
    %broadcast_in_dim3A_911 = vector.broadcast %broadcast_in_dim3A_910 : vector<1x512xf32> to vector<512x512xf32>
    %broadcast_in_dim3A_912 = vector.broadcast %jit3A_909 : f32 to vector<512x512xf32>
    %select_n3A_913 = arith.select %eq3A_898, %broadcast_in_dim3A_911, %broadcast_in_dim3A_912 : vector<512x512xi1>, vector<512x512xf32>
    %reduce_max3A_914 = arith.constant dense<0xFF800000> : vector<512xf32>
    %reduce_max3A_915 = vector.multi_reduction <maximumf>, %select_n3A_913, %reduce_max3A_914 [1] : vector<512x512xf32> to vector<512xf32>
    %max3A_916 = arith.maximumf %max3A_882, %reduce_max3A_915 : vector<512xf32>
    %get3A_917 = arith.constant 27 : index
    %get3A_918 = arith.constant 0 : index
    %get3A_919 = vector.load %arg2[%get3A_917, %get3A_918] : memref<32x512xi32, #tpu.memory_space<vmem>>, vector<1x512xi32>
    %get3A_920 = vector.shape_cast %get3A_919 : vector<1x512xi32> to vector<512xi32>
    %get3A_921 = arith.constant 27 : index
    %get3A_922 = arith.constant 0 : index
    %get3A_923 = vector.load %arg3[%get3A_921, %get3A_922] : memref<32x512xf32, #tpu.memory_space<vmem>>, vector<1x512xf32>
    %get3A_924 = vector.shape_cast %get3A_923 : vector<1x512xf32> to vector<512xf32>
    %get3A_925 = arith.constant 13824 : index
    %get3A_926 = arith.constant 0 : index
    %get3A_927 = vector.load %arg4[%get3A_925, %get3A_926] : memref<16384x32xbf16, #tpu.memory_space<vmem>>, vector<512x32xbf16>
    %broadcast_in_dim3A_928 = vector.shape_cast %get3A_3 : vector<512xi32> to vector<512x1xi32>
    %broadcast_in_dim3A_929 = vector.shape_cast %get3A_920 : vector<512xi32> to vector<1x512xi32>
    %eq3A_930 = vector.broadcast %broadcast_in_dim3A_928 : vector<512x1xi32> to vector<512x512xi32>
    %eq3A_931 = vector.broadcast %broadcast_in_dim3A_929 : vector<1x512xi32> to vector<512x512xi32>
    %eq3A_932 = arith.cmpi eq, %eq3A_930, %eq3A_931 : vector<512x512xi32>
    %jit3A_933 = arith.constant 1.000000e+00 : f32
    %jit3A_934 = arith.constant 0.000000e+00 : f32
    %broadcast_in_dim3A_935 = vector.broadcast %jit3A_933 : f32 to vector<512x512xf32>
    %broadcast_in_dim3A_936 = vector.broadcast %jit3A_934 : f32 to vector<512x512xf32>
    %select_n3A_937 = arith.select %eq3A_932, %broadcast_in_dim3A_935, %broadcast_in_dim3A_936 : vector<512x512xi1>, vector<512x512xf32>
    %convert_element_type3A_938 = arith.truncf %select_n3A_937 : vector<512x512xf32> to vector<512x512xbf16>
    %dot_general3A_939 = arith.constant dense<0.000000e+00> : vector<512x32xf32>
    %dot_general3A_940 = tpu.matmul %convert_element_type3A_938, %get3A_927, %dot_general3A_939 {dimension_numbers = #tpu.dot_dimension_numbers<[1], [0], [0], [1], [0, 0, 1, 1], [], []>, transpose_lhs_hint = false} : vector<512x512xbf16>, vector<512x32xbf16>, vector<512x32xf32> -> vector<512x32xf32>
    %add3A_941 = arith.addf %add3A_907, %dot_general3A_940 : vector<512x32xf32>
    %broadcast_in_dim3A_942 = vector.shape_cast %get3A_924 : vector<512xf32> to vector<1x512xf32>
    %jit3A_943 = arith.constant 0xFF800000 : f32
    %broadcast_in_dim3A_944 = vector.shape_cast %broadcast_in_dim3A_942 : vector<1x512xf32> to vector<1x512xf32>
    %broadcast_in_dim3A_945 = vector.broadcast %broadcast_in_dim3A_944 : vector<1x512xf32> to vector<512x512xf32>
    %broadcast_in_dim3A_946 = vector.broadcast %jit3A_943 : f32 to vector<512x512xf32>
    %select_n3A_947 = arith.select %eq3A_932, %broadcast_in_dim3A_945, %broadcast_in_dim3A_946 : vector<512x512xi1>, vector<512x512xf32>
    %reduce_max3A_948 = arith.constant dense<0xFF800000> : vector<512xf32>
    %reduce_max3A_949 = vector.multi_reduction <maximumf>, %select_n3A_947, %reduce_max3A_948 [1] : vector<512x512xf32> to vector<512xf32>
    %max3A_950 = arith.maximumf %max3A_916, %reduce_max3A_949 : vector<512xf32>
    %get3A_951 = arith.constant 28 : index
    %get3A_952 = arith.constant 0 : index
    %get3A_953 = vector.load %arg2[%get3A_951, %get3A_952] : memref<32x512xi32, #tpu.memory_space<vmem>>, vector<1x512xi32>
    %get3A_954 = vector.shape_cast %get3A_953 : vector<1x512xi32> to vector<512xi32>
    %get3A_955 = arith.constant 28 : index
    %get3A_956 = arith.constant 0 : index
    %get3A_957 = vector.load %arg3[%get3A_955, %get3A_956] : memref<32x512xf32, #tpu.memory_space<vmem>>, vector<1x512xf32>
    %get3A_958 = vector.shape_cast %get3A_957 : vector<1x512xf32> to vector<512xf32>
    %get3A_959 = arith.constant 14336 : index
    %get3A_960 = arith.constant 0 : index
    %get3A_961 = vector.load %arg4[%get3A_959, %get3A_960] : memref<16384x32xbf16, #tpu.memory_space<vmem>>, vector<512x32xbf16>
    %broadcast_in_dim3A_962 = vector.shape_cast %get3A_3 : vector<512xi32> to vector<512x1xi32>
    %broadcast_in_dim3A_963 = vector.shape_cast %get3A_954 : vector<512xi32> to vector<1x512xi32>
    %eq3A_964 = vector.broadcast %broadcast_in_dim3A_962 : vector<512x1xi32> to vector<512x512xi32>
    %eq3A_965 = vector.broadcast %broadcast_in_dim3A_963 : vector<1x512xi32> to vector<512x512xi32>
    %eq3A_966 = arith.cmpi eq, %eq3A_964, %eq3A_965 : vector<512x512xi32>
    %jit3A_967 = arith.constant 1.000000e+00 : f32
    %jit3A_968 = arith.constant 0.000000e+00 : f32
    %broadcast_in_dim3A_969 = vector.broadcast %jit3A_967 : f32 to vector<512x512xf32>
    %broadcast_in_dim3A_970 = vector.broadcast %jit3A_968 : f32 to vector<512x512xf32>
    %select_n3A_971 = arith.select %eq3A_966, %broadcast_in_dim3A_969, %broadcast_in_dim3A_970 : vector<512x512xi1>, vector<512x512xf32>
    %convert_element_type3A_972 = arith.truncf %select_n3A_971 : vector<512x512xf32> to vector<512x512xbf16>
    %dot_general3A_973 = arith.constant dense<0.000000e+00> : vector<512x32xf32>
    %dot_general3A_974 = tpu.matmul %convert_element_type3A_972, %get3A_961, %dot_general3A_973 {dimension_numbers = #tpu.dot_dimension_numbers<[1], [0], [0], [1], [0, 0, 1, 1], [], []>, transpose_lhs_hint = false} : vector<512x512xbf16>, vector<512x32xbf16>, vector<512x32xf32> -> vector<512x32xf32>
    %add3A_975 = arith.addf %add3A_941, %dot_general3A_974 : vector<512x32xf32>
    %broadcast_in_dim3A_976 = vector.shape_cast %get3A_958 : vector<512xf32> to vector<1x512xf32>
    %jit3A_977 = arith.constant 0xFF800000 : f32
    %broadcast_in_dim3A_978 = vector.shape_cast %broadcast_in_dim3A_976 : vector<1x512xf32> to vector<1x512xf32>
    %broadcast_in_dim3A_979 = vector.broadcast %broadcast_in_dim3A_978 : vector<1x512xf32> to vector<512x512xf32>
    %broadcast_in_dim3A_980 = vector.broadcast %jit3A_977 : f32 to vector<512x512xf32>
    %select_n3A_981 = arith.select %eq3A_966, %broadcast_in_dim3A_979, %broadcast_in_dim3A_980 : vector<512x512xi1>, vector<512x512xf32>
    %reduce_max3A_982 = arith.constant dense<0xFF800000> : vector<512xf32>
    %reduce_max3A_983 = vector.multi_reduction <maximumf>, %select_n3A_981, %reduce_max3A_982 [1] : vector<512x512xf32> to vector<512xf32>
    %max3A_984 = arith.maximumf %max3A_950, %reduce_max3A_983 : vector<512xf32>
    %get3A_985 = arith.constant 29 : index
    %get3A_986 = arith.constant 0 : index
    %get3A_987 = vector.load %arg2[%get3A_985, %get3A_986] : memref<32x512xi32, #tpu.memory_space<vmem>>, vector<1x512xi32>
    %get3A_988 = vector.shape_cast %get3A_987 : vector<1x512xi32> to vector<512xi32>
    %get3A_989 = arith.constant 29 : index
    %get3A_990 = arith.constant 0 : index
    %get3A_991 = vector.load %arg3[%get3A_989, %get3A_990] : memref<32x512xf32, #tpu.memory_space<vmem>>, vector<1x512xf32>
    %get3A_992 = vector.shape_cast %get3A_991 : vector<1x512xf32> to vector<512xf32>
    %get3A_993 = arith.constant 14848 : index
    %get3A_994 = arith.constant 0 : index
    %get3A_995 = vector.load %arg4[%get3A_993, %get3A_994] : memref<16384x32xbf16, #tpu.memory_space<vmem>>, vector<512x32xbf16>
    %broadcast_in_dim3A_996 = vector.shape_cast %get3A_3 : vector<512xi32> to vector<512x1xi32>
    %broadcast_in_dim3A_997 = vector.shape_cast %get3A_988 : vector<512xi32> to vector<1x512xi32>
    %eq3A_998 = vector.broadcast %broadcast_in_dim3A_996 : vector<512x1xi32> to vector<512x512xi32>
    %eq3A_999 = vector.broadcast %broadcast_in_dim3A_997 : vector<1x512xi32> to vector<512x512xi32>
    %eq3A_1000 = arith.cmpi eq, %eq3A_998, %eq3A_999 : vector<512x512xi32>
    %jit3A_1001 = arith.constant 1.000000e+00 : f32
    %jit3A_1002 = arith.constant 0.000000e+00 : f32
    %broadcast_in_dim3A_1003 = vector.broadcast %jit3A_1001 : f32 to vector<512x512xf32>
    %broadcast_in_dim3A_1004 = vector.broadcast %jit3A_1002 : f32 to vector<512x512xf32>
    %select_n3A_1005 = arith.select %eq3A_1000, %broadcast_in_dim3A_1003, %broadcast_in_dim3A_1004 : vector<512x512xi1>, vector<512x512xf32>
    %convert_element_type3A_1006 = arith.truncf %select_n3A_1005 : vector<512x512xf32> to vector<512x512xbf16>
    %dot_general3A_1007 = arith.constant dense<0.000000e+00> : vector<512x32xf32>
    %dot_general3A_1008 = tpu.matmul %convert_element_type3A_1006, %get3A_995, %dot_general3A_1007 {dimension_numbers = #tpu.dot_dimension_numbers<[1], [0], [0], [1], [0, 0, 1, 1], [], []>, transpose_lhs_hint = false} : vector<512x512xbf16>, vector<512x32xbf16>, vector<512x32xf32> -> vector<512x32xf32>
    %add3A_1009 = arith.addf %add3A_975, %dot_general3A_1008 : vector<512x32xf32>
    %broadcast_in_dim3A_1010 = vector.shape_cast %get3A_992 : vector<512xf32> to vector<1x512xf32>
    %jit3A_1011 = arith.constant 0xFF800000 : f32
    %broadcast_in_dim3A_1012 = vector.shape_cast %broadcast_in_dim3A_1010 : vector<1x512xf32> to vector<1x512xf32>
    %broadcast_in_dim3A_1013 = vector.broadcast %broadcast_in_dim3A_1012 : vector<1x512xf32> to vector<512x512xf32>
    %broadcast_in_dim3A_1014 = vector.broadcast %jit3A_1011 : f32 to vector<512x512xf32>
    %select_n3A_1015 = arith.select %eq3A_1000, %broadcast_in_dim3A_1013, %broadcast_in_dim3A_1014 : vector<512x512xi1>, vector<512x512xf32>
    %reduce_max3A_1016 = arith.constant dense<0xFF800000> : vector<512xf32>
    %reduce_max3A_1017 = vector.multi_reduction <maximumf>, %select_n3A_1015, %reduce_max3A_1016 [1] : vector<512x512xf32> to vector<512xf32>
    %max3A_1018 = arith.maximumf %max3A_984, %reduce_max3A_1017 : vector<512xf32>
    %get3A_1019 = arith.constant 30 : index
    %get3A_1020 = arith.constant 0 : index
    %get3A_1021 = vector.load %arg2[%get3A_1019, %get3A_1020] : memref<32x512xi32, #tpu.memory_space<vmem>>, vector<1x512xi32>
    %get3A_1022 = vector.shape_cast %get3A_1021 : vector<1x512xi32> to vector<512xi32>
    %get3A_1023 = arith.constant 30 : index
    %get3A_1024 = arith.constant 0 : index
    %get3A_1025 = vector.load %arg3[%get3A_1023, %get3A_1024] : memref<32x512xf32, #tpu.memory_space<vmem>>, vector<1x512xf32>
    %get3A_1026 = vector.shape_cast %get3A_1025 : vector<1x512xf32> to vector<512xf32>
    %get3A_1027 = arith.constant 15360 : index
    %get3A_1028 = arith.constant 0 : index
    %get3A_1029 = vector.load %arg4[%get3A_1027, %get3A_1028] : memref<16384x32xbf16, #tpu.memory_space<vmem>>, vector<512x32xbf16>
    %broadcast_in_dim3A_1030 = vector.shape_cast %get3A_3 : vector<512xi32> to vector<512x1xi32>
    %broadcast_in_dim3A_1031 = vector.shape_cast %get3A_1022 : vector<512xi32> to vector<1x512xi32>
    %eq3A_1032 = vector.broadcast %broadcast_in_dim3A_1030 : vector<512x1xi32> to vector<512x512xi32>
    %eq3A_1033 = vector.broadcast %broadcast_in_dim3A_1031 : vector<1x512xi32> to vector<512x512xi32>
    %eq3A_1034 = arith.cmpi eq, %eq3A_1032, %eq3A_1033 : vector<512x512xi32>
    %jit3A_1035 = arith.constant 1.000000e+00 : f32
    %jit3A_1036 = arith.constant 0.000000e+00 : f32
    %broadcast_in_dim3A_1037 = vector.broadcast %jit3A_1035 : f32 to vector<512x512xf32>
    %broadcast_in_dim3A_1038 = vector.broadcast %jit3A_1036 : f32 to vector<512x512xf32>
    %select_n3A_1039 = arith.select %eq3A_1034, %broadcast_in_dim3A_1037, %broadcast_in_dim3A_1038 : vector<512x512xi1>, vector<512x512xf32>
    %convert_element_type3A_1040 = arith.truncf %select_n3A_1039 : vector<512x512xf32> to vector<512x512xbf16>
    %dot_general3A_1041 = arith.constant dense<0.000000e+00> : vector<512x32xf32>
    %dot_general3A_1042 = tpu.matmul %convert_element_type3A_1040, %get3A_1029, %dot_general3A_1041 {dimension_numbers = #tpu.dot_dimension_numbers<[1], [0], [0], [1], [0, 0, 1, 1], [], []>, transpose_lhs_hint = false} : vector<512x512xbf16>, vector<512x32xbf16>, vector<512x32xf32> -> vector<512x32xf32>
    %add3A_1043 = arith.addf %add3A_1009, %dot_general3A_1042 : vector<512x32xf32>
    %broadcast_in_dim3A_1044 = vector.shape_cast %get3A_1026 : vector<512xf32> to vector<1x512xf32>
    %jit3A_1045 = arith.constant 0xFF800000 : f32
    %broadcast_in_dim3A_1046 = vector.shape_cast %broadcast_in_dim3A_1044 : vector<1x512xf32> to vector<1x512xf32>
    %broadcast_in_dim3A_1047 = vector.broadcast %broadcast_in_dim3A_1046 : vector<1x512xf32> to vector<512x512xf32>
    %broadcast_in_dim3A_1048 = vector.broadcast %jit3A_1045 : f32 to vector<512x512xf32>
    %select_n3A_1049 = arith.select %eq3A_1034, %broadcast_in_dim3A_1047, %broadcast_in_dim3A_1048 : vector<512x512xi1>, vector<512x512xf32>
    %reduce_max3A_1050 = arith.constant dense<0xFF800000> : vector<512xf32>
    %reduce_max3A_1051 = vector.multi_reduction <maximumf>, %select_n3A_1049, %reduce_max3A_1050 [1] : vector<512x512xf32> to vector<512xf32>
    %max3A_1052 = arith.maximumf %max3A_1018, %reduce_max3A_1051 : vector<512xf32>
    %get3A_1053 = arith.constant 31 : index
    %get3A_1054 = arith.constant 0 : index
    %get3A_1055 = vector.load %arg2[%get3A_1053, %get3A_1054] : memref<32x512xi32, #tpu.memory_space<vmem>>, vector<1x512xi32>
    %get3A_1056 = vector.shape_cast %get3A_1055 : vector<1x512xi32> to vector<512xi32>
    %get3A_1057 = arith.constant 31 : index
    %get3A_1058 = arith.constant 0 : index
    %get3A_1059 = vector.load %arg3[%get3A_1057, %get3A_1058] : memref<32x512xf32, #tpu.memory_space<vmem>>, vector<1x512xf32>
    %get3A_1060 = vector.shape_cast %get3A_1059 : vector<1x512xf32> to vector<512xf32>
    %get3A_1061 = arith.constant 15872 : index
    %get3A_1062 = arith.constant 0 : index
    %get3A_1063 = vector.load %arg4[%get3A_1061, %get3A_1062] : memref<16384x32xbf16, #tpu.memory_space<vmem>>, vector<512x32xbf16>
    %broadcast_in_dim3A_1064 = vector.shape_cast %get3A_3 : vector<512xi32> to vector<512x1xi32>
    %broadcast_in_dim3A_1065 = vector.shape_cast %get3A_1056 : vector<512xi32> to vector<1x512xi32>
    %eq3A_1066 = vector.broadcast %broadcast_in_dim3A_1064 : vector<512x1xi32> to vector<512x512xi32>
    %eq3A_1067 = vector.broadcast %broadcast_in_dim3A_1065 : vector<1x512xi32> to vector<512x512xi32>
    %eq3A_1068 = arith.cmpi eq, %eq3A_1066, %eq3A_1067 : vector<512x512xi32>
    %jit3A_1069 = arith.constant 1.000000e+00 : f32
    %jit3A_1070 = arith.constant 0.000000e+00 : f32
    %broadcast_in_dim3A_1071 = vector.broadcast %jit3A_1069 : f32 to vector<512x512xf32>
    %broadcast_in_dim3A_1072 = vector.broadcast %jit3A_1070 : f32 to vector<512x512xf32>
    %select_n3A_1073 = arith.select %eq3A_1068, %broadcast_in_dim3A_1071, %broadcast_in_dim3A_1072 : vector<512x512xi1>, vector<512x512xf32>
    %convert_element_type3A_1074 = arith.truncf %select_n3A_1073 : vector<512x512xf32> to vector<512x512xbf16>
    %dot_general3A_1075 = arith.constant dense<0.000000e+00> : vector<512x32xf32>
    %dot_general3A_1076 = tpu.matmul %convert_element_type3A_1074, %get3A_1063, %dot_general3A_1075 {dimension_numbers = #tpu.dot_dimension_numbers<[1], [0], [0], [1], [0, 0, 1, 1], [], []>, transpose_lhs_hint = false} : vector<512x512xbf16>, vector<512x32xbf16>, vector<512x32xf32> -> vector<512x32xf32>
    %add3A_1077 = arith.addf %add3A_1043, %dot_general3A_1076 : vector<512x32xf32>
    %broadcast_in_dim3A_1078 = vector.shape_cast %get3A_1060 : vector<512xf32> to vector<1x512xf32>
    %jit3A_1079 = arith.constant 0xFF800000 : f32
    %broadcast_in_dim3A_1080 = vector.shape_cast %broadcast_in_dim3A_1078 : vector<1x512xf32> to vector<1x512xf32>
    %broadcast_in_dim3A_1081 = vector.broadcast %broadcast_in_dim3A_1080 : vector<1x512xf32> to vector<512x512xf32>
    %broadcast_in_dim3A_1082 = vector.broadcast %jit3A_1079 : f32 to vector<512x512xf32>
    %select_n3A_1083 = arith.select %eq3A_1068, %broadcast_in_dim3A_1081, %broadcast_in_dim3A_1082 : vector<512x512xi1>, vector<512x512xf32>
    %reduce_max3A_1084 = arith.constant dense<0xFF800000> : vector<512xf32>
    %reduce_max3A_1085 = vector.multi_reduction <maximumf>, %select_n3A_1083, %reduce_max3A_1084 [1] : vector<512x512xf32> to vector<512xf32>
    %max3A_1086 = arith.maximumf %max3A_1052, %reduce_max3A_1085 : vector<512xf32>
    %slice3A = vector.extract_strided_slice %add3A_1077 {offsets = [0, 16], sizes = [512, 1], strides = [1, 1]} : vector<512x32xf32> to vector<512x1xf32>
    %max3A_1087 = arith.constant 1.000000e+00 : f32
    %max3A_1088 = vector.broadcast %max3A_1087 : f32 to vector<512x1xf32>
    %max3A_1089 = arith.maximumf %slice3A, %max3A_1088 : vector<512x1xf32>
    %slice3A_1090 = vector.extract_strided_slice %add3A_1077 {offsets = [0, 0], sizes = [512, 16], strides = [1, 1]} : vector<512x32xf32> to vector<512x16xf32>
    %div3A = vector.broadcast %max3A_1089 : vector<512x1xf32> to vector<512x16xf32>
    %div3A_1091 = arith.divf %slice3A_1090, %div3A : vector<512x16xf32>
    %swap3A = arith.constant 0 : index
    %swap3A_1092 = arith.constant 0 : index
    %swap3A_1093 = vector.load %arg5[%swap3A, %swap3A_1092] : memref<512x16xf32, #tpu.memory_space<vmem>>, vector<512x16xf32>
    tpu.vector_store %arg5[%swap3A, %swap3A_1092], %div3A_1091 {strides = array<i32>} : memref<512x16xf32, #tpu.memory_space<vmem>>, vector<512x16xf32>,
    %swap3A_1094 = arith.constant 0 : index
    %swap3A_1095 = arith.constant 0 : index
    %swap3A_1096 = arith.constant 0 : index
    %swap3A_1097 = vector.load %arg6[%swap3A_1094, %swap3A_1095, %swap3A_1096] : memref<1x1x512xf32, #tpu.memory_space<vmem>>, vector<1x1x512xf32>
    %swap3A_1098 = vector.shape_cast %swap3A_1097 : vector<1x1x512xf32> to vector<512xf32>
    %swap3A_1099 = vector.shape_cast %max3A_1086 : vector<512xf32> to vector<1x1x512xf32>
    tpu.vector_store %arg6[%swap3A_1094, %swap3A_1095, %swap3A_1096], %swap3A_1099 {strides = array<i32>} : memref<1x1x512xf32, #tpu.memory_space<vmem>>, vector<1x1x512xf32>,
    return
  }
  func.func @transform_0(%arg0: i32) -> (i32, i32, i32) {
    %c0_i32 = arith.constant 0 : i32
    %c0_i32_0 = arith.constant 0 : i32
    %c0_i32_1 = arith.constant 0 : i32
    return %arg0, %c0_i32, %c0_i32_0 : i32, i32, i32
  }
  func.func @transform_1(%arg0: i32) -> (i32, i32) {
    %c0_i32 = arith.constant 0 : i32
    %c0_i32_0 = arith.constant 0 : i32
    %c0_i32_1 = arith.constant 0 : i32
    return %c0_i32, %c0_i32_0 : i32, i32
  }
  func.func @transform_2(%arg0: i32) -> (i32, i32) {
    %c0_i32 = arith.constant 0 : i32
    %c0_i32_0 = arith.constant 0 : i32
    %c0_i32_1 = arith.constant 0 : i32
    return %c0_i32, %c0_i32_0 : i32, i32
  }
  func.func @transform_3(%arg0: i32) -> (i32, i32) {
    %c0_i32 = arith.constant 0 : i32
    %c0_i32_0 = arith.constant 0 : i32
    %c0_i32_1 = arith.constant 0 : i32
    return %c0_i32, %c0_i32_0 : i32, i32
  }
  func.func @transform_4(%arg0: i32) -> (i32, i32) {
    %c0_i32 = arith.constant 0 : i32
    %c0_i32_0 = arith.constant 0 : i32
    return %arg0, %c0_i32 : i32, i32
  }
  func.func @transform_5(%arg0: i32) -> (i32, i32, i32) {
    %c0_i32 = arith.constant 0 : i32
    %c0_i32_0 = arith.constant 0 : i32
    %c0_i32_1 = arith.constant 0 : i32
    return %arg0, %c0_i32, %c0_i32_0 : i32, i32, i32
  }
}

module attributes {stable_mosaic.version = 14 : i64} {
  func.func @_gru_body(%arg0: i32, %arg1: memref<512x16xf32, #tpu.memory_space<vmem>>, %arg2: memref<512x16xf32, #tpu.memory_space<vmem>>, %arg3: memref<16x16xf32, #tpu.memory_space<vmem>>, %arg4: memref<16x16xf32, #tpu.memory_space<vmem>>, %arg5: memref<16x16xf32, #tpu.memory_space<vmem>>, %arg6: memref<16x16xf32, #tpu.memory_space<vmem>>, %arg7: memref<16x16xf32, #tpu.memory_space<vmem>>, %arg8: memref<16x16xf32, #tpu.memory_space<vmem>>, %arg9: memref<1x48xf32, #tpu.memory_space<vmem>>, %arg10: memref<1x48xf32, #tpu.memory_space<vmem>>, %arg11: memref<512x16xf32, #tpu.memory_space<vmem>>) attributes {dimension_semantics = [#tpu.dimension_semantics<parallel>], iteration_bounds = array<i64: 32>, scalar_prefetch = 0 : i64, scratch_operands = 0 : i64, tpu.core_type = #tpu.core_type<tc>, window_params = [{transform_indices = @transform_0, window_bounds = array<i64: 512, 16>}, {transform_indices = @transform_1, window_bounds = array<i64: 512, 16>}, {pipeline_mode = #tpu.pipeline_mode<synchronous>, transform_indices = @transform_2, window_bounds = array<i64: 16, 16>}, {pipeline_mode = #tpu.pipeline_mode<synchronous>, transform_indices = @transform_3, window_bounds = array<i64: 16, 16>}, {pipeline_mode = #tpu.pipeline_mode<synchronous>, transform_indices = @transform_4, window_bounds = array<i64: 16, 16>}, {pipeline_mode = #tpu.pipeline_mode<synchronous>, transform_indices = @transform_5, window_bounds = array<i64: 16, 16>}, {pipeline_mode = #tpu.pipeline_mode<synchronous>, transform_indices = @transform_6, window_bounds = array<i64: 16, 16>}, {pipeline_mode = #tpu.pipeline_mode<synchronous>, transform_indices = @transform_7, window_bounds = array<i64: 16, 16>}, {pipeline_mode = #tpu.pipeline_mode<synchronous>, transform_indices = @transform_8, window_bounds = array<i64: 1, 48>}, {pipeline_mode = #tpu.pipeline_mode<synchronous>, transform_indices = @transform_9, window_bounds = array<i64: 1, 48>}, {transform_indices = @transform_10, window_bounds = array<i64: 512, 16>}]} {
    %get3A = arith.constant 0 : index
    %get3A_0 = arith.constant 0 : index
    %get3A_1 = vector.load %arg1[%get3A, %get3A_0] : memref<512x16xf32, #tpu.memory_space<vmem>>, vector<512x16xf32>
    %get3A_2 = arith.constant 0 : index
    %get3A_3 = arith.constant 0 : index
    %get3A_4 = vector.load %arg2[%get3A_2, %get3A_3] : memref<512x16xf32, #tpu.memory_space<vmem>>, vector<512x16xf32>
    %get3A_5 = arith.constant 0 : index
    %get3A_6 = arith.constant 0 : index
    %get3A_7 = vector.load %arg3[%get3A_5, %get3A_6] : memref<16x16xf32, #tpu.memory_space<vmem>>, vector<16x16xf32>
    %dot_general3A = arith.constant dense<0.000000e+00> : vector<512x16xf32>
    %dot_general3A_8 = tpu.matmul %get3A_1, %get3A_7, %dot_general3A {dimension_numbers = #tpu.dot_dimension_numbers<[1], [0], [0], [1], [0, 0, 1, 1], [], []>, transpose_lhs_hint = false} : vector<512x16xf32>, vector<16x16xf32>, vector<512x16xf32> -> vector<512x16xf32>
    %get3A_9 = arith.constant 0 : index
    %get3A_10 = arith.constant 0 : index
    %get3A_11 = vector.load %arg9[%get3A_9, %get3A_10] : memref<1x48xf32, #tpu.memory_space<vmem>>, vector<1x16xf32>
    %get3A_12 = vector.shape_cast %get3A_11 : vector<1x16xf32> to vector<16xf32>
    %broadcast_in_dim3A = vector.shape_cast %get3A_12 : vector<16xf32> to vector<1x16xf32>
    %add3A = vector.broadcast %broadcast_in_dim3A : vector<1x16xf32> to vector<512x16xf32>
    %add3A_13 = arith.addf %dot_general3A_8, %add3A : vector<512x16xf32>
    %get3A_14 = arith.constant 0 : index
    %get3A_15 = arith.constant 0 : index
    %get3A_16 = vector.load %arg6[%get3A_14, %get3A_15] : memref<16x16xf32, #tpu.memory_space<vmem>>, vector<16x16xf32>
    %dot_general3A_17 = arith.constant dense<0.000000e+00> : vector<512x16xf32>
    %dot_general3A_18 = tpu.matmul %get3A_4, %get3A_16, %dot_general3A_17 {dimension_numbers = #tpu.dot_dimension_numbers<[1], [0], [0], [1], [0, 0, 1, 1], [], []>, transpose_lhs_hint = false} : vector<512x16xf32>, vector<16x16xf32>, vector<512x16xf32> -> vector<512x16xf32>
    %add3A_19 = arith.addf %add3A_13, %dot_general3A_18 : vector<512x16xf32>
    %get3A_20 = arith.constant 0 : index
    %get3A_21 = arith.constant 0 : index
    %get3A_22 = vector.load %arg10[%get3A_20, %get3A_21] : memref<1x48xf32, #tpu.memory_space<vmem>>, vector<1x16xf32>
    %get3A_23 = vector.shape_cast %get3A_22 : vector<1x16xf32> to vector<16xf32>
    %broadcast_in_dim3A_24 = vector.shape_cast %get3A_23 : vector<16xf32> to vector<1x16xf32>
    %add3A_25 = vector.broadcast %broadcast_in_dim3A_24 : vector<1x16xf32> to vector<512x16xf32>
    %add3A_26 = arith.addf %add3A_19, %add3A_25 : vector<512x16xf32>
    %logistic3A = arith.negf %add3A_26 : vector<512x16xf32>
    %logistic3A_27 = math.exp %logistic3A : vector<512x16xf32>
    %logistic3A_28 = arith.constant 1.000000e+00 : f32
    %logistic3A_29 = vector.broadcast %logistic3A_28 : f32 to vector<512x16xf32>
    %logistic3A_30 = arith.addf %logistic3A_29, %logistic3A_27 : vector<512x16xf32>
    %logistic3A_31 = arith.divf %logistic3A_29, %logistic3A_30 : vector<512x16xf32>
    %get3A_32 = arith.constant 0 : index
    %get3A_33 = arith.constant 0 : index
    %get3A_34 = vector.load %arg4[%get3A_32, %get3A_33] : memref<16x16xf32, #tpu.memory_space<vmem>>, vector<16x16xf32>
    %dot_general3A_35 = arith.constant dense<0.000000e+00> : vector<512x16xf32>
    %dot_general3A_36 = tpu.matmul %get3A_1, %get3A_34, %dot_general3A_35 {dimension_numbers = #tpu.dot_dimension_numbers<[1], [0], [0], [1], [0, 0, 1, 1], [], []>, transpose_lhs_hint = false} : vector<512x16xf32>, vector<16x16xf32>, vector<512x16xf32> -> vector<512x16xf32>
    %get3A_37 = arith.constant 0 : index
    %get3A_38 = arith.constant 16 : index
    %get3A_39 = vector.load %arg9[%get3A_37, %get3A_38] : memref<1x48xf32, #tpu.memory_space<vmem>>, vector<1x16xf32>
    %get3A_40 = vector.shape_cast %get3A_39 : vector<1x16xf32> to vector<16xf32>
    %broadcast_in_dim3A_41 = vector.shape_cast %get3A_40 : vector<16xf32> to vector<1x16xf32>
    %add3A_42 = vector.broadcast %broadcast_in_dim3A_41 : vector<1x16xf32> to vector<512x16xf32>
    %add3A_43 = arith.addf %dot_general3A_36, %add3A_42 : vector<512x16xf32>
    %get3A_44 = arith.constant 0 : index
    %get3A_45 = arith.constant 0 : index
    %get3A_46 = vector.load %arg7[%get3A_44, %get3A_45] : memref<16x16xf32, #tpu.memory_space<vmem>>, vector<16x16xf32>
    %dot_general3A_47 = arith.constant dense<0.000000e+00> : vector<512x16xf32>
    %dot_general3A_48 = tpu.matmul %get3A_4, %get3A_46, %dot_general3A_47 {dimension_numbers = #tpu.dot_dimension_numbers<[1], [0], [0], [1], [0, 0, 1, 1], [], []>, transpose_lhs_hint = false} : vector<512x16xf32>, vector<16x16xf32>, vector<512x16xf32> -> vector<512x16xf32>
    %add3A_49 = arith.addf %add3A_43, %dot_general3A_48 : vector<512x16xf32>
    %get3A_50 = arith.constant 0 : index
    %get3A_51 = arith.constant 16 : index
    %get3A_52 = vector.load %arg10[%get3A_50, %get3A_51] : memref<1x48xf32, #tpu.memory_space<vmem>>, vector<1x16xf32>
    %get3A_53 = vector.shape_cast %get3A_52 : vector<1x16xf32> to vector<16xf32>
    %broadcast_in_dim3A_54 = vector.shape_cast %get3A_53 : vector<16xf32> to vector<1x16xf32>
    %add3A_55 = vector.broadcast %broadcast_in_dim3A_54 : vector<1x16xf32> to vector<512x16xf32>
    %add3A_56 = arith.addf %add3A_49, %add3A_55 : vector<512x16xf32>
    %logistic3A_57 = arith.negf %add3A_56 : vector<512x16xf32>
    %logistic3A_58 = math.exp %logistic3A_57 : vector<512x16xf32>
    %logistic3A_59 = arith.constant 1.000000e+00 : f32
    %logistic3A_60 = vector.broadcast %logistic3A_59 : f32 to vector<512x16xf32>
    %logistic3A_61 = arith.addf %logistic3A_60, %logistic3A_58 : vector<512x16xf32>
    %logistic3A_62 = arith.divf %logistic3A_60, %logistic3A_61 : vector<512x16xf32>
    %get3A_63 = arith.constant 0 : index
    %get3A_64 = arith.constant 0 : index
    %get3A_65 = vector.load %arg5[%get3A_63, %get3A_64] : memref<16x16xf32, #tpu.memory_space<vmem>>, vector<16x16xf32>
    %dot_general3A_66 = arith.constant dense<0.000000e+00> : vector<512x16xf32>
    %dot_general3A_67 = tpu.matmul %get3A_1, %get3A_65, %dot_general3A_66 {dimension_numbers = #tpu.dot_dimension_numbers<[1], [0], [0], [1], [0, 0, 1, 1], [], []>, transpose_lhs_hint = false} : vector<512x16xf32>, vector<16x16xf32>, vector<512x16xf32> -> vector<512x16xf32>
    %get3A_68 = arith.constant 0 : index
    %get3A_69 = arith.constant 32 : index
    %get3A_70 = vector.load %arg9[%get3A_68, %get3A_69] : memref<1x48xf32, #tpu.memory_space<vmem>>, vector<1x16xf32>
    %get3A_71 = vector.shape_cast %get3A_70 : vector<1x16xf32> to vector<16xf32>
    %broadcast_in_dim3A_72 = vector.shape_cast %get3A_71 : vector<16xf32> to vector<1x16xf32>
    %add3A_73 = vector.broadcast %broadcast_in_dim3A_72 : vector<1x16xf32> to vector<512x16xf32>
    %add3A_74 = arith.addf %dot_general3A_67, %add3A_73 : vector<512x16xf32>
    %get3A_75 = arith.constant 0 : index
    %get3A_76 = arith.constant 0 : index
    %get3A_77 = vector.load %arg8[%get3A_75, %get3A_76] : memref<16x16xf32, #tpu.memory_space<vmem>>, vector<16x16xf32>
    %dot_general3A_78 = arith.constant dense<0.000000e+00> : vector<512x16xf32>
    %dot_general3A_79 = tpu.matmul %get3A_4, %get3A_77, %dot_general3A_78 {dimension_numbers = #tpu.dot_dimension_numbers<[1], [0], [0], [1], [0, 0, 1, 1], [], []>, transpose_lhs_hint = false} : vector<512x16xf32>, vector<16x16xf32>, vector<512x16xf32> -> vector<512x16xf32>
    %get3A_80 = arith.constant 0 : index
    %get3A_81 = arith.constant 32 : index
    %get3A_82 = vector.load %arg10[%get3A_80, %get3A_81] : memref<1x48xf32, #tpu.memory_space<vmem>>, vector<1x16xf32>
    %get3A_83 = vector.shape_cast %get3A_82 : vector<1x16xf32> to vector<16xf32>
    %broadcast_in_dim3A_84 = vector.shape_cast %get3A_83 : vector<16xf32> to vector<1x16xf32>
    %add3A_85 = vector.broadcast %broadcast_in_dim3A_84 : vector<1x16xf32> to vector<512x16xf32>
    %add3A_86 = arith.addf %dot_general3A_79, %add3A_85 : vector<512x16xf32>
    %mul3A = arith.mulf %logistic3A_31, %add3A_86 : vector<512x16xf32>
    %add3A_87 = arith.addf %add3A_74, %mul3A : vector<512x16xf32>
    %tanh3A = math.tanh %add3A_87 : vector<512x16xf32>
    %sub3A = arith.constant 1.000000e+00 : f32
    %sub3A_88 = vector.broadcast %sub3A : f32 to vector<512x16xf32>
    %sub3A_89 = arith.subf %sub3A_88, %logistic3A_62 : vector<512x16xf32>
    %mul3A_90 = arith.mulf %sub3A_89, %tanh3A : vector<512x16xf32>
    %mul3A_91 = arith.mulf %logistic3A_62, %get3A_4 : vector<512x16xf32>
    %add3A_92 = arith.addf %mul3A_90, %mul3A_91 : vector<512x16xf32>
    %swap3A = arith.constant 0 : index
    %swap3A_93 = arith.constant 0 : index
    %swap3A_94 = vector.load %arg11[%swap3A, %swap3A_93] : memref<512x16xf32, #tpu.memory_space<vmem>>, vector<512x16xf32>
    tpu.vector_store %arg11[%swap3A, %swap3A_93], %add3A_92 {strides = array<i32>} : memref<512x16xf32, #tpu.memory_space<vmem>>, vector<512x16xf32>,
    return
  }
  func.func @transform_0(%arg0: i32) -> (i32, i32) {
    %c0_i32 = arith.constant 0 : i32
    %c0_i32_0 = arith.constant 0 : i32
    return %arg0, %c0_i32 : i32, i32
  }
  func.func @transform_1(%arg0: i32) -> (i32, i32) {
    %c0_i32 = arith.constant 0 : i32
    %c0_i32_0 = arith.constant 0 : i32
    return %arg0, %c0_i32 : i32, i32
  }
  func.func @transform_2(%arg0: i32) -> (i32, i32) {
    %c0_i32 = arith.constant 0 : i32
    %c0_i32_0 = arith.constant 0 : i32
    %c0_i32_1 = arith.constant 0 : i32
    return %c0_i32, %c0_i32_0 : i32, i32
  }
  func.func @transform_3(%arg0: i32) -> (i32, i32) {
    %c0_i32 = arith.constant 0 : i32
    %c0_i32_0 = arith.constant 0 : i32
    %c0_i32_1 = arith.constant 0 : i32
    return %c0_i32, %c0_i32_0 : i32, i32
  }
  func.func @transform_4(%arg0: i32) -> (i32, i32) {
    %c0_i32 = arith.constant 0 : i32
    %c0_i32_0 = arith.constant 0 : i32
    %c0_i32_1 = arith.constant 0 : i32
    return %c0_i32, %c0_i32_0 : i32, i32
  }
  func.func @transform_5(%arg0: i32) -> (i32, i32) {
    %c0_i32 = arith.constant 0 : i32
    %c0_i32_0 = arith.constant 0 : i32
    %c0_i32_1 = arith.constant 0 : i32
    return %c0_i32, %c0_i32_0 : i32, i32
  }
  func.func @transform_6(%arg0: i32) -> (i32, i32) {
    %c0_i32 = arith.constant 0 : i32
    %c0_i32_0 = arith.constant 0 : i32
    %c0_i32_1 = arith.constant 0 : i32
    return %c0_i32, %c0_i32_0 : i32, i32
  }
  func.func @transform_7(%arg0: i32) -> (i32, i32) {
    %c0_i32 = arith.constant 0 : i32
    %c0_i32_0 = arith.constant 0 : i32
    %c0_i32_1 = arith.constant 0 : i32
    return %c0_i32, %c0_i32_0 : i32, i32
  }
  func.func @transform_8(%arg0: i32) -> (i32, i32) {
    %c0_i32 = arith.constant 0 : i32
    %c0_i32_0 = arith.constant 0 : i32
    %c0_i32_1 = arith.constant 0 : i32
    return %c0_i32, %c0_i32_0 : i32, i32
  }
  func.func @transform_9(%arg0: i32) -> (i32, i32) {
    %c0_i32 = arith.constant 0 : i32
    %c0_i32_0 = arith.constant 0 : i32
    %c0_i32_1 = arith.constant 0 : i32
    return %c0_i32, %c0_i32_0 : i32, i32
  }
  func.func @transform_10(%arg0: i32) -> (i32, i32) {
    %c0_i32 = arith.constant 0 : i32
    %c0_i32_0 = arith.constant 0 : i32
    return %arg0, %c0_i32 : i32, i32
  }
}

</mosaic_0001>

<sc_bundles>
// kernel: kernel.10.cloned.1.call-start
scs
__scs_entry_jumppad:
0x0: {  	(pc) =	sbr.rel $0x88, $3  }
0x1: {  	(tag) =	ssettag $0x0;
	lr =	simm.s32 $0x1  }
0x2: {  	[smem:$0x3F96] =	sst lr;
	_ =	strace $0xD0000000  }
0x3: {  	_ = 	snop  }
0x4: {  	_ = 	snop  }
0x5: {  	_ = 	snop  }
0x6: {  	_ = 	snop  }
0x7: {  	_ = 	snop  }
__scs_overlays_trampoline_lowered:
0x8: {  	[smem:$0x3FA5] =	sst s0  }
0x9: {  	[smem:$0x3FA6] =	sst s1  }
0xa: {  	[smem:$0x3FA7] =	sst s2  }
0xb: {  	[smem:$0x3FA8] =	sst s3  }
0xc: {  	[smem:$0x3FA9] =	sst s4  }
0xd: {  	[smem:$0x3FAA] =	sst s5  }
0xe: {  	[smem:$0x3FAB] =	sst s6  }
0xf: {  	[smem:$0x3FAC] =	sst s7  }
0x10: {  	[smem:$0x3FAD] =	sst s8  }
0x11: {  	[smem:$0x3FAE] =	sst s9;
	s0 =	simm.s32 @!p0 $0x0  }
0x12: {  	s1 =	sld [smem:$0x3F94];
	s0 =	simm.s32 @p0 $0x1  }
0x13: {  	[smem:$0x3FAF] =	sst s0;
	s0 =	simm.s32 @!p1 $0x0  }
0x14: {  	s2 =	sld [smem:$0x3F93];
	s0 =	simm.s32 @p1 $0x1  }
0x15: {  	[smem:$0x3FB0] =	sst s0;
	s0 =	simm.s32 @!p2 $0x0  }
0x16: {  	s3 =	sld [smem:$0x3FDB];
	s0 =	simm.s32 @p2 $0x1  }
0x17: {  	s4 =	simm.s32 $0x1BF5;
	[smem:$0x3FB2] =	sst s0  }
0x18: {  	s0 =	sld [smem:$0x3F95];
	_ =	swait.ge [sflag:s4], $0x0  }
0x19: {  	s7 =	sld [smem:$0x3F96]  }
0x1a: {  	s8 =	sadd.s32 $0xFFFFE003, lr  }
0x1b: {  	s9 =	sadd.s32 $0xFFFFFEF7, lr;
	s5 =	simm.s32 $0xFFFFFFFF;
	p2 =	slt.u32 s8, $0xFFFFF086  }
0x1c: {  	p1 =	slt.u32 s9, $0xF7A;
	s5 =	simm.s32 @!p2 $0x0  }
0x1d: {  	s5 =	simm.s32 @p1 $0x1;
	p0 =	seq.s32 s7, s2  }
0x1e: {  	s7 =	smul.u32 @!p0 $0xF7A, s2;
	p2 =	seq.s32 @!p0 s5, $0x0  }
0x1f: {  	s9 =	smul.u32 $0xF7A, s1;
	s8 =	simm.s32 @!p0 $0x1BF5;
	p2 =	por !p2, p0  }
0x20: {  	[sflag:s8] =	ssyncset.s32 @!p0 $0xFFFFF086;
	s6 =	sadd.s32 @!p0 s3, s7;
	s7 =	simm.s32 @!p0 $0x108  }
0x21: {  	s3 =	sadd.s32 s3, s9;
	s6 =	sadd.s32 @!p0 $0x88, s6;
	s7 =	simm.s32 @p2 $0x1082  }
0x22: {  	[simem:s7], [sflag:s8] =	dma.local @!p0 [hbm:s6], $0xF7A  }
0x23: {  	s9 =	sor.u32 $0xD0000000, s2;
	s6 =	simm.s32 $0x108;
	_ =	swait.ge @!p0 [sflag:s8], $0x0  }
0x24: {  	s3 =	sadd.s32 $0x88, s3;
	s6 =	simm.s32 @!p1 $0x1082;
	[sflag:s4] =	ssyncset.s32 $0xFFFFF086  }
0x25: {  	[simem:s6], [sflag:s4] =	dma.local [hbm:s3], $0xF7A  }
0x26: {  	[smem:$0x3F96] =	sst s1;
	(tag) =	ssettag s2;
	_ =	strace s9  }
0x27: {  	s1 =	sld [smem:$0x3FA6]  }
0x28: {  	s2 =	sld [smem:$0x3FA7]  }
0x29: {  	s4 =	sld [smem:$0x3FA9]  }
0x2a: {  	p0 =	seq.s32 s5, $0x0;
	s5 =	sld [smem:$0x3FAA]  }
0x2b: {  	s6 =	sld [smem:$0x3FAB]  }
0x2c: {  	s7 =	sld [smem:$0x3FAC]  }
0x2d: {  	s3 =	simm.s32 $0x108;
	s8 =	sld [smem:$0x3FAD]  }
0x2e: {  	s3 =	simm.s32 @!p0 $0x1082;
	s9 =	sld [smem:$0x3FAE]  }
0x2f: {  	lr =	sadd.s32 s0, s3;
	s0 =	sld [smem:$0x3FA5]  }
0x30: {  	s3 =	sld [smem:$0x3FA8]  }
0x31: {  	[smem:$0x3FB1] =	sst s10  }
0x32: {  	s10 =	sld [smem:$0x3FAF];
	_ =	sdelay $0x3  }
0x33: {  	p0 =	seq.s32 s10, $0x1;
	s10 =	sld [smem:$0x3FB1];
	_ =	sdelay $0x3  }
0x34: {  	[smem:$0x3FB1] =	sst s10  }
0x35: {  	s10 =	sld [smem:$0x3FB0];
	_ =	sdelay $0x3  }
0x36: {  	p1 =	seq.s32 s10, $0x1;
	s10 =	sld [smem:$0x3FB1];
	_ =	sdelay $0x3  }
0x37: {  	[smem:$0x3FB1] =	sst s10  }
0x38: {  	s10 =	sld [smem:$0x3FB2]  }
0x39: {  	_ = 	snop;
	(pc) =	sbr.ind lr, $3  }
0x3a: {  	_ = 	snop  }
0x3b: {  	_ = 	snop  }
0x3c: {  	p2 =	seq.s32 s10, $0x1;
	s10 =	sld [smem:$0x3FB1]  }
0x3d: {  	_ =	shalt  }
0x3e: {  	_ =	shalt  }
0x3f: {  	_ =	shalt  }
0x40: {  	_ =	shalt  }
0x41: {  	_ =	shalt  }
0x42: {  	_ =	shalt  }
0x43: {  	_ =	shalt  }
0x44: {  	_ =	shalt  }
0x45: {  	_ =	shalt  }
0x46: {  	_ =	shalt  }
0x47: {  	_ =	shalt  }
0x48: {  	_ =	shalt  }
0x49: {  	_ =	shalt  }
0x4a: {  	_ =	shalt  }
0x4b: {  	_ =	shalt  }
0x4c: {  	_ =	shalt  }
0x4d: {  	_ =	shalt  }
0x4e: {  	_ =	shalt  }
0x4f: {  	_ =	shalt  }
0x50: {  	_ =	shalt  }
0x51: {  	_ =	shalt  }
0x52: {  	_ =	shalt  }
0x53: {  	_ =	shalt  }
0x54: {  	_ =	shalt  }
0x55: {  	_ =	shalt  }
0x56: {  	_ =	shalt  }
0x57: {  	_ =	shalt  }
0x58: {  	_ =	shalt  }
0x59: {  	_ =	shalt  }
0x5a: {  	_ =	shalt  }
0x5b: {  	_ =	shalt  }
0x5c: {  	_ =	shalt  }
0x5d: {  	_ =	shalt  }
0x5e: {  	_ =	shalt  }
0x5f: {  	_ =	shalt  }
0x60: {  	_ =	shalt  }
0x61: {  	_ =	shalt  }
0x62: {  	_ =	shalt  }
0x63: {  	_ =	shalt  }
0x64: {  	_ =	shalt  }
0x65: {  	_ =	shalt  }
0x66: {  	_ =	shalt  }
0x67: {  	_ =	shalt  }
0x68: {  	_ =	shalt  }
0x69: {  	_ =	shalt  }
0x6a: {  	_ =	shalt  }
0x6b: {  	_ =	shalt  }
0x6c: {  	_ =	shalt  }
0x6d: {  	_ =	shalt  }
0x6e: {  	_ =	shalt  }
0x6f: {  	_ =	shalt  }
0x70: {  	_ =	shalt  }
0x71: {  	_ =	shalt  }
0x72: {  	_ =	shalt  }
0x73: {  	_ =	shalt  }
0x74: {  	_ =	shalt  }
0x75: {  	_ =	shalt  }
0x76: {  	_ =	shalt  }
0x77: {  	_ =	shalt  }
0x78: {  	_ =	shalt  }
0x79: {  	_ =	shalt  }
0x7a: {  	_ =	shalt  }
0x7b: {  	_ =	shalt  }
0x7c: {  	_ =	shalt  }
0x7d: {  	_ =	shalt  }
0x7e: {  	_ =	shalt  }
0x7f: {  	_ =	shalt  }
0x80: {  	_ =	shalt  }
0x81: {  	_ =	shalt  }
0x82: {  	_ =	shalt  }
0x83: {  	_ =	shalt  }
0x84: {  	_ =	shalt  }
0x85: {  	_ =	shalt  }
0x86: {  	_ =	shalt  }
0x87: {  	_ =	shalt  }
.Lfunc_end0:
.L_simem_size_0:
called_computation.2_lowered:
.L_overlay_start_0:
0x88: {  	s2 =	sld [smem:$0x3FD9]  }
0x89: {  	s3 =	sld [smem:$0x3FFE];
	_ =	sdelay $0x1  }
0x8a: {  	s1 =	srdreg.scid  }
0x8b: {  	s0 =	sand.u32 $0x1, s1  }
0x8c: {  	s14 =	sshll.u32 s0, $0xA;
	s2 =	sadd.s32 s3, s2  }
0x8d: {  	s2 =	sadd.s32 s2, s14  }
0x8e: {  	[smem:$0x3FBD] =	sst s2  }
0x8f: {  	_ = 	snop  }
0x90: {  	s2 =	sld [smem:$0x3FD0];
	_ =	sdelay $0x2  }
0x91: {  	s4 =	simm.s32 $0xA;
	s5 =	simm.s32 $0x10;
	s15 =	sld [smem:$0x3FC5]  }
0x92: {  	[smem:s5], [sflag:s4] =	dma.local [hbm:s2], $0x1  }
0x93: {  	_ =	swait.eq [sflag:s4], $0x1  }
0x94: {  	[sflag:s4] =	ssyncset.done $0x0  }
0x95: {  	s16 =	sld [smem:$0x10];
	[sflag:s4] =	ssyncadd.s32 $0xFFFFFFFF  }
0x96: {  	s17 =	sld [smem:$0x11];
	(tm) =	ssettm $0x1  }
0x97: {  	s18 =	sld [smem:$0x3FFB];
	_ =	sdelay $0x3  }
0x98: {  	_ =	strace s18  }
0x99: {  	s5 =	sld [smem:$0x3FFC];
	_ =	sdelay $0x3  }
0x9a: {  	_ =	strace s5  }
0x9b: {  	s5 =	sld [smem:$0x3FFD];
	_ =	sdelay $0x3  }
0x9c: {  	_ =	strace s5  }
0x9d: {  	_ =	strace $0x8FFFFFFF  }
0x9e: {  	s19 =	sld [smem:$0x3FDB];
	_ =	sdelay $0x1  }
0x9f: {  	s6 =	simm.s32 $_scs_section_size  }
0xa0: {  	s7 =	simm.s32 $_size__tile_overlayer_lowered;
	s8 =	simm.s32 $_tile_overlayer_lowered  }
0xa1: {  	s22 =	simm.s32 $0x1BFF;
	s21 =	sshll.u32 s8, $0x1;
	s5 =	sadd.s32 s6, s19  }
0xa2: {  	s9 =	simm.s32 $0x0;
	s20 =	sshll.u32 s7, $0x1;
	s7 =	sadd.s32 s21, s5  }
0xa3: {  	[timem:s9], [sflag:s22] =	dma.local [hbm:s7], s20  }
0xa4: {  	_ =	swait.ge [sflag:s22], s20  }
0xa5: {  	s6 =	ssub.s32 $0x0, s20;
	[sflag:s22] =	ssyncset.done $0x0  }
0xa6: {  	[sflag:s22] =	ssyncadd.s32 s6;
	_ =	sdelay $0x1  }
0xa7: {  	s23 =	simm.s32 $0x1B8B  }
0xa8: {  	_ =	swait.ge [sflag:s23], $0x1  }
0xa9: {  	[sflag:s23] =	ssyncset.done $0x0  }
0xaa: {  	s25 =	simm.s32 $0x1B8E;
	s24 =	sld [smem:$0x3FFE];
	[sflag:s23] =	ssyncadd.s32 $0xFFFFFFFF  }
0xab: {  	s26 =	simm.s32 $execute0_lowered;
	[smem:$0x3FD2] =	sst s25  }
0xac: {  	s7 =	sshll.u32 s26, $0x1;
	_ =	strace $0x80000049;
	[dreg:$0x1] =	wrdreg $0xFFFFFFFF  }
0xad: {  	s28 =	simm.s32 $_size_execute0_lowered;
	s5 =	sadd.s32 s5, s7;
	[dreg:$0x0] =	wrdreg $0x0  }
0xae: {  	s7 =	sshll.u32 s28, $0x1;
	[dreg:$0x2] =	wrdreg s5  }
0xaf: {  	[dreg:$0x3] =	wrdreg s7  }
0xb0: {  	[dreg:$0x4] =	wrdreg $0xC0  }
0xb1: {  	_ =	task [dreg:s9], $0x5FFFF  }
0xb2: {  	[dreg:$0x1] =	wrdreg $0xFFFFFFFF  }
0xb3: {  	[dreg:$0x0] =	wrdreg $0x60  }
0xb4: {  	[dreg:$0x2] =	wrdreg s16  }
0xb5: {  	[dreg:$0x3] =	wrdreg s17  }
0xb6: {  	[dreg:$0x4] =	wrdreg s24  }
0xb7: {  	[dreg:$0x5] =	wrdreg s15  }
0xb8: {  	[dreg:$0x6] =	wrdreg $0x9  }
0xb9: {  	_ =	task.clear_ibuf [dreg:s9], $0x7FFFF;
	_ =	strace $0x90000049  }
0xba: {  	s29 =	simm.s32 $0x9;
	_ =	strace $0x8000004B  }
0xbb: {  	_ =	swait.ge [sflag:s29], $0x1  }
0xbc: {  	[sflag:s29] =	ssyncadd.s32 $0xFFFFFFFF  }
0xbd: {  	_ =	strace $0x9000004B  }
0xbe: {  	_ =	sfence  }
0xbf: {  	s30 =	sld [smem:$0x0];
	_ =	sdelay $0x2  }
0xc0: {  	s31 =	sshll.u32 s1, $0xD;
	s1 =	sshrl.u32 s1, $0x2  }
0xc1: {  	s3 =	sand.u32 $0x4000, s31;
	s1 =	sadd.s32 s1, s30  }
0xc2: {  	s0 =	sor.u32 s3, s0;
	s1 =	sshll.u32 s1, $0x11  }
0xc3: {  	s0 =	sor.u32 s1, s0  }
0xc4: {  	s0 =	sadd.s32 $0x8F2B, s0  }
0xc5: {  	[sflag:s0] =	ssyncadd.remote.s32 $0x1  }
0xc6: {  	_ =	sfence.sel $0xFFFF  }
0xc7: {  	[dreg:$0x0] =	wrdreg $0xFFFFFFFF;
	(pc) =	sbr.abs _section_cstart, $3  }
0xc8: {  	[dreg:$0x1] =	wrdreg $0xFFFFFFFF  }
0xc9: {  	_ =	task.clear_ibuf [dreg:s9], $0x2FFFF;
	_ =	strace $0x9FFFFFFF  }
0xca: {  	(tm) =	ssettm $0x7FFFFFFF  }
0xcb: {  	_ =	shalt  }
tec
execute0_lowered:
.L_overlay_start_1:
0x0: {  	(tag) =	ssettag $0x1  }
0x1: {  	s1 =	rddreg [dreg:$0x0]  }
0x2: {  	s3 =	rddreg [dreg:$0x1]  }
0x3: {  	s10 =	rddreg [dreg:$0x2];
	s4 =	srdreg.scid  }
0x4: {  	s5 =	rddreg [dreg:$0x3];
	s2 =	stileid.u32;
	s11 =	sand.u32 $0x1, s4  }
0x5: {  	s4 =	simm.s32 $0x0;
	s6 =	sshll.u32 s2, $0xA;
	s7 =	sshll.u32 s11, $0x9  }
0x6: {  	[smem:$0x7FF] =	sst s4;
	s6 =	sor.u32 s7, s6  }
0x7: {  	s0 =	rddreg [dreg:$0x4];
	_ =	strace $0x8000004A;
	s12 =	sshrl.u32 s6, $0x3  }
0x8: {  	s7 =	sshll.u32 s6, $0x1;
	s6 =	sadd.s32 s5, s12;
	s5 =	simm.s32 $0x2  }
0x9: {  	[tilespmem:s4], [sflag:$0x2] =	stream.linear.gather [hbm4b:s6+s4], $0x200, $0x38;
	[tilespmem:$0x2400] =	vst v63  }
0xa: {  	_ =	swait.ge [sflag:s5], $0x200  }
0xb: {  	s8 =	simm.s32 $0x200;
	s7 =	sadd.s32 s7, s10;
	[sflag:s5] =	ssyncset.done $0x0  }
0xc: {  	s9 =	simm.s32 $0x1;
	s7 =	sadd.s32 $0x2800, s7;
	[sflag:s5] =	ssyncadd.s32 $0xFFFFFE00  }
0xd: {  	[tilespmem:s8], [sflag:$0x1] =	stream.linear.gather [hbm4b:s7+s4], $0x2000, $0x38;
	[tilespmem:$0x2400] =	vst v63  }
0xe: {  	_ =	swait.ge [sflag:s9], $0x2000  }
0xf: {  	[sflag:s9] =	ssyncset.done $0x0  }
0x10: {  	s31 =	ssub.s32 $0x2, s11;
	[sflag:s9] =	ssyncadd.s32 $0xFFFFE000  }
0x11: {  	[hbm4b:s1+s8] =	stream.indirect.scatter [tilespmem:s8], [sflag:$0x2], $0x10, s4, s8, $0xb8;
	[tilespmem:$0x2400] =	vst v63  }
0x12: {  	s11 =	simm.s32 $0x2200;
	s13 =	sshrl.u32 s31, $0x1;
	_ =	swait.ge [sflag:s5], $0x2000  }
0x13: {  	s10 =	sadd.s32 s12, s10;
	s12 =	ssub.s32 s31, s13;
	[sflag:s5] =	ssyncset.done $0x0  }
0x14: {  	s10 =	sadd.s32 $0xA800, s10;
	s12 =	smax.u32 s12, $0x1;
	[sflag:s5] =	ssyncadd.s32 $0xFFFFE000  }
0x15: {  	[tilespmem:s11], [sflag:$0x1] =	stream.linear.gather [hbm4b:s10+s4], $0x200, $0x38;
	[tilespmem:$0x2400] =	vst v63  }
0x16: {  	p0 =	sne.s32 s12, $0x1;
	_ =	swait.ge [sflag:s9], $0x200  }
.Ltmp0:
0x17: {  	[sflag:s9] =	ssyncset.done $0x0;
	(pc) =	sbr.rel @!p0 .LBB2_2-.Ltmp0, $4  }
0x18: {  	[sflag:s9] =	ssyncadd.s32 $0xFFFFFE00  }
0x19: {  	[hbm4b:s3+s8] =	stream.indirect.scatter [tilespmem:s11], [sflag:$0x2], $0x1, s4, s8, $0xb8;
	[tilespmem:$0x2400] =	vst v63  }
0x1a: {  	_ =	swait.ge [sflag:s5], $0x200  }
0x1b: {  	s12 =	sadd.s32 $0xFFFFFFFF, s12;
	[sflag:s5] =	ssyncset.done $0x0  }
.LBB2_1:
0x1c: {  	p0 =	sne.s32 s12, $0x1;
	s12 =	sadd.s32 $0xFFFFFFFF, s12;
	[sflag:s5] =	ssyncadd.s32 $0xFFFFFE00  }
0x1d: {  	[tilespmem:s4], [sflag:$0x2] =	stream.linear.gather [hbm4b:s6+s4], $0x200, $0x38;
	[tilespmem:$0x2400] =	vst v63  }
0x1e: {  	_ =	swait.ge [sflag:s5], $0x200  }
0x1f: {  	[sflag:s5] =	ssyncset.done $0x0  }
0x20: {  	[sflag:s5] =	ssyncadd.s32 $0xFFFFFE00  }
0x21: {  	[tilespmem:s8], [sflag:$0x1] =	stream.linear.gather [hbm4b:s7+s4], $0x2000, $0x38;
	[tilespmem:$0x2400] =	vst v63  }
0x22: {  	_ =	swait.ge [sflag:s9], $0x2000  }
0x23: {  	[sflag:s9] =	ssyncset.done $0x0  }
0x24: {  	[sflag:s9] =	ssyncadd.s32 $0xFFFFE000  }
0x25: {  	[hbm4b:s1+s8] =	stream.indirect.scatter [tilespmem:s8], [sflag:$0x2], $0x10, s4, s8, $0xb8;
	[tilespmem:$0x2400] =	vst v63  }
0x26: {  	_ =	swait.ge [sflag:s5], $0x2000  }
0x27: {  	[sflag:s5] =	ssyncset.done $0x0  }
0x28: {  	[sflag:s5] =	ssyncadd.s32 $0xFFFFE000  }
0x29: {  	[tilespmem:s11], [sflag:$0x1] =	stream.linear.gather [hbm4b:s10+s4], $0x200, $0x38;
	[tilespmem:$0x2400] =	vst v63  }
0x2a: {  	_ =	swait.ge [sflag:s9], $0x200  }
.Ltmp1:
0x2b: {  	[sflag:s9] =	ssyncset.done $0x0;
	(pc) =	sbr.rel @p0 .LBB2_1-.Ltmp1, $4  }
0x2c: {  	[sflag:s9] =	ssyncadd.s32 $0xFFFFFE00  }
0x2d: {  	[hbm4b:s3+s8] =	stream.indirect.scatter [tilespmem:s11], [sflag:$0x2], $0x1, s4, s8, $0xb8;
	[tilespmem:$0x2400] =	vst v63  }
0x2e: {  	_ =	swait.ge [sflag:s5], $0x200  }
0x2f: {  	[sflag:s5] =	ssyncset.done $0x0  }
.LBB2_2:
0x30: {  	[sflag:s5] =	ssyncadd.s32 $0xFFFFFE00  }
0x31: {  	_ =	sfence.sel $0x180000  }
0x32: {  	[bflag:$0x0] =	sbarrier.arrive $0xFFFF  }
0x33: {  	p0 =	sne.s32 s2, $0x0;
	_ =	strace $0x9000004A  }
0x34: {  	s0 =	sadd.s32 @!p0 $0x100000, s0;
	[bflag:$0x2] =	sbarrier.arrive $0xFFFF  }
0x35: {  	[sflag:s0] =	ssyncadd.tile.s32 @!p0 $0x1;
	_ =	shalt  }
.Lfunc_end2:
_tile_overlayer_lowered:
.L_overlay_start_2:
0x36: {  	(tag) =	ssettag $0x2  }
0x37: {  	s0 =	rddreg [dreg:$0x0];
	s2 =	stileid.u32  }
0x38: {  	s1 =	rddreg [dreg:$0x1];
	p0 =	sne.s32 s2, $0x0  }
0x39: {  	s3 =	rddreg [dreg:$0x2];
	[bflag:$0x3] =	sbarrier.arrive $0xFFFF;
	s2 =	simm.s32 @!p0 $0x1C02  }
0x3a: {  	[timem:s3], [sflag:s2] =	dma.local @!p0 [hbm:s0], s1  }
0x3b: {  	s0 =	simm.s32 @!p0 $0x2  }
0x3c: {  	_ =	swait.ge @!p0 [sflag:s0], s1  }
0x3d: {  	s1 =	ssub.s32 @!p0 $0x0, s1;
	[sflag:s0] =	ssyncset.done @!p0 $0x0  }
0x3e: {  	[sflag:s0] =	ssyncadd.s32 @!p0 s1  }
0x3f: {  	[bflag:$0x3] =	sbarrier.arrive $0xFFFF  }
0x40: {  	_ =	shalt  }

// kernel: kernel.7.cloned.1.call-start
scs
__scs_entry_jumppad:
0x0: {  	(pc) =	sbr.rel $0x88, $3  }
0x1: {  	(tag) =	ssettag $0x0;
	lr =	simm.s32 $0x1  }
0x2: {  	[smem:$0x3F96] =	sst lr;
	_ =	strace $0xD0000000  }
0x3: {  	_ = 	snop  }
0x4: {  	_ = 	snop  }
0x5: {  	_ = 	snop  }
0x6: {  	_ = 	snop  }
0x7: {  	_ = 	snop  }
__scs_overlays_trampoline_lowered:
0x8: {  	[smem:$0x3FA5] =	sst s0  }
0x9: {  	[smem:$0x3FA6] =	sst s1  }
0xa: {  	[smem:$0x3FA7] =	sst s2  }
0xb: {  	[smem:$0x3FA8] =	sst s3  }
0xc: {  	[smem:$0x3FA9] =	sst s4  }
0xd: {  	[smem:$0x3FAA] =	sst s5  }
0xe: {  	[smem:$0x3FAB] =	sst s6  }
0xf: {  	[smem:$0x3FAC] =	sst s7  }
0x10: {  	[smem:$0x3FAD] =	sst s8  }
0x11: {  	[smem:$0x3FAE] =	sst s9;
	s0 =	simm.s32 @!p0 $0x0  }
0x12: {  	s1 =	sld [smem:$0x3F94];
	s0 =	simm.s32 @p0 $0x1  }
0x13: {  	[smem:$0x3FAF] =	sst s0;
	s0 =	simm.s32 @!p1 $0x0  }
0x14: {  	s2 =	sld [smem:$0x3F93];
	s0 =	simm.s32 @p1 $0x1  }
0x15: {  	[smem:$0x3FB0] =	sst s0;
	s0 =	simm.s32 @!p2 $0x0  }
0x16: {  	s3 =	sld [smem:$0x3FDB];
	s0 =	simm.s32 @p2 $0x1  }
0x17: {  	s4 =	simm.s32 $0x1BF5;
	[smem:$0x3FB2] =	sst s0  }
0x18: {  	s0 =	sld [smem:$0x3F95];
	_ =	swait.ge [sflag:s4], $0x0  }
0x19: {  	s7 =	sld [smem:$0x3F96]  }
0x1a: {  	s8 =	sadd.s32 $0xFFFFE003, lr  }
0x1b: {  	s9 =	sadd.s32 $0xFFFFFEF7, lr;
	s5 =	simm.s32 $0xFFFFFFFF;
	p2 =	slt.u32 s8, $0xFFFFF086  }
0x1c: {  	p1 =	slt.u32 s9, $0xF7A;
	s5 =	simm.s32 @!p2 $0x0  }
0x1d: {  	s5 =	simm.s32 @p1 $0x1;
	p0 =	seq.s32 s7, s2  }
0x1e: {  	s7 =	smul.u32 @!p0 $0xF7A, s2;
	p2 =	seq.s32 @!p0 s5, $0x0  }
0x1f: {  	s9 =	smul.u32 $0xF7A, s1;
	s8 =	simm.s32 @!p0 $0x1BF5;
	p2 =	por !p2, p0  }
0x20: {  	[sflag:s8] =	ssyncset.s32 @!p0 $0xFFFFF086;
	s6 =	sadd.s32 @!p0 s3, s7;
	s7 =	simm.s32 @!p0 $0x108  }
0x21: {  	s3 =	sadd.s32 s3, s9;
	s6 =	sadd.s32 @!p0 $0x88, s6;
	s7 =	simm.s32 @p2 $0x1082  }
0x22: {  	[simem:s7], [sflag:s8] =	dma.local @!p0 [hbm:s6], $0xF7A  }
0x23: {  	s9 =	sor.u32 $0xD0000000, s2;
	s6 =	simm.s32 $0x108;
	_ =	swait.ge @!p0 [sflag:s8], $0x0  }
0x24: {  	s3 =	sadd.s32 $0x88, s3;
	s6 =	simm.s32 @!p1 $0x1082;
	[sflag:s4] =	ssyncset.s32 $0xFFFFF086  }
0x25: {  	[simem:s6], [sflag:s4] =	dma.local [hbm:s3], $0xF7A  }
0x26: {  	[smem:$0x3F96] =	sst s1;
	(tag) =	ssettag s2;
	_ =	strace s9  }
0x27: {  	s1 =	sld [smem:$0x3FA6]  }
0x28: {  	s2 =	sld [smem:$0x3FA7]  }
0x29: {  	s4 =	sld [smem:$0x3FA9]  }
0x2a: {  	p0 =	seq.s32 s5, $0x0;
	s5 =	sld [smem:$0x3FAA]  }
0x2b: {  	s6 =	sld [smem:$0x3FAB]  }
0x2c: {  	s7 =	sld [smem:$0x3FAC]  }
0x2d: {  	s3 =	simm.s32 $0x108;
	s8 =	sld [smem:$0x3FAD]  }
0x2e: {  	s3 =	simm.s32 @!p0 $0x1082;
	s9 =	sld [smem:$0x3FAE]  }
0x2f: {  	lr =	sadd.s32 s0, s3;
	s0 =	sld [smem:$0x3FA5]  }
0x30: {  	s3 =	sld [smem:$0x3FA8]  }
0x31: {  	[smem:$0x3FB1] =	sst s10  }
0x32: {  	s10 =	sld [smem:$0x3FAF];
	_ =	sdelay $0x3  }
0x33: {  	p0 =	seq.s32 s10, $0x1;
	s10 =	sld [smem:$0x3FB1];
	_ =	sdelay $0x3  }
0x34: {  	[smem:$0x3FB1] =	sst s10  }
0x35: {  	s10 =	sld [smem:$0x3FB0];
	_ =	sdelay $0x3  }
0x36: {  	p1 =	seq.s32 s10, $0x1;
	s10 =	sld [smem:$0x3FB1];
	_ =	sdelay $0x3  }
0x37: {  	[smem:$0x3FB1] =	sst s10  }
0x38: {  	s10 =	sld [smem:$0x3FB2]  }
0x39: {  	_ = 	snop;
	(pc) =	sbr.ind lr, $3  }
0x3a: {  	_ = 	snop  }
0x3b: {  	_ = 	snop  }
0x3c: {  	p2 =	seq.s32 s10, $0x1;
	s10 =	sld [smem:$0x3FB1]  }
0x3d: {  	_ =	shalt  }
0x3e: {  	_ =	shalt  }
0x3f: {  	_ =	shalt  }
0x40: {  	_ =	shalt  }
0x41: {  	_ =	shalt  }
0x42: {  	_ =	shalt  }
0x43: {  	_ =	shalt  }
0x44: {  	_ =	shalt  }
0x45: {  	_ =	shalt  }
0x46: {  	_ =	shalt  }
0x47: {  	_ =	shalt  }
0x48: {  	_ =	shalt  }
0x49: {  	_ =	shalt  }
0x4a: {  	_ =	shalt  }
0x4b: {  	_ =	shalt  }
0x4c: {  	_ =	shalt  }
0x4d: {  	_ =	shalt  }
0x4e: {  	_ =	shalt  }
0x4f: {  	_ =	shalt  }
0x50: {  	_ =	shalt  }
0x51: {  	_ =	shalt  }
0x52: {  	_ =	shalt  }
0x53: {  	_ =	shalt  }
0x54: {  	_ =	shalt  }
0x55: {  	_ =	shalt  }
0x56: {  	_ =	shalt  }
0x57: {  	_ =	shalt  }
0x58: {  	_ =	shalt  }
0x59: {  	_ =	shalt  }
0x5a: {  	_ =	shalt  }
0x5b: {  	_ =	shalt  }
0x5c: {  	_ =	shalt  }
0x5d: {  	_ =	shalt  }
0x5e: {  	_ =	shalt  }
0x5f: {  	_ =	shalt  }
0x60: {  	_ =	shalt  }
0x61: {  	_ =	shalt  }
0x62: {  	_ =	shalt  }
0x63: {  	_ =	shalt  }
0x64: {  	_ =	shalt  }
0x65: {  	_ =	shalt  }
0x66: {  	_ =	shalt  }
0x67: {  	_ =	shalt  }
0x68: {  	_ =	shalt  }
0x69: {  	_ =	shalt  }
0x6a: {  	_ =	shalt  }
0x6b: {  	_ =	shalt  }
0x6c: {  	_ =	shalt  }
0x6d: {  	_ =	shalt  }
0x6e: {  	_ =	shalt  }
0x6f: {  	_ =	shalt  }
0x70: {  	_ =	shalt  }
0x71: {  	_ =	shalt  }
0x72: {  	_ =	shalt  }
0x73: {  	_ =	shalt  }
0x74: {  	_ =	shalt  }
0x75: {  	_ =	shalt  }
0x76: {  	_ =	shalt  }
0x77: {  	_ =	shalt  }
0x78: {  	_ =	shalt  }
0x79: {  	_ =	shalt  }
0x7a: {  	_ =	shalt  }
0x7b: {  	_ =	shalt  }
0x7c: {  	_ =	shalt  }
0x7d: {  	_ =	shalt  }
0x7e: {  	_ =	shalt  }
0x7f: {  	_ =	shalt  }
0x80: {  	_ =	shalt  }
0x81: {  	_ =	shalt  }
0x82: {  	_ =	shalt  }
0x83: {  	_ =	shalt  }
0x84: {  	_ =	shalt  }
0x85: {  	_ =	shalt  }
0x86: {  	_ =	shalt  }
0x87: {  	_ =	shalt  }
.Lfunc_end0:
.L_simem_size_0:
called_computation.1_lowered:
.L_overlay_start_0:
0x88: {  	s2 =	sld [smem:$0x3FD9]  }
0x89: {  	s3 =	sld [smem:$0x3FFE];
	_ =	sdelay $0x1  }
0x8a: {  	s1 =	srdreg.scid  }
0x8b: {  	s0 =	sand.u32 $0x1, s1  }
0x8c: {  	s14 =	sshll.u32 s0, $0xA;
	s2 =	sadd.s32 s3, s2  }
0x8d: {  	s2 =	sadd.s32 s2, s14  }
0x8e: {  	[smem:$0x3FBD] =	sst s2  }
0x8f: {  	_ = 	snop  }
0x90: {  	s2 =	sld [smem:$0x3FD0];
	_ =	sdelay $0x2  }
0x91: {  	s4 =	simm.s32 $0xA;
	s5 =	simm.s32 $0x10;
	s15 =	sld [smem:$0x3FC5]  }
0x92: {  	[smem:s5], [sflag:s4] =	dma.local [hbm:s2], $0x1  }
0x93: {  	_ =	swait.eq [sflag:s4], $0x1  }
0x94: {  	[sflag:s4] =	ssyncset.done $0x0  }
0x95: {  	[sflag:s4] =	ssyncadd.s32 $0xFFFFFFFF  }
0x96: {  	s16 =	sld [smem:$0x10];
	(tm) =	ssettm $0x1  }
0x97: {  	s17 =	sld [smem:$0x3FFB];
	_ =	sdelay $0x3  }
0x98: {  	_ =	strace s17  }
0x99: {  	s4 =	sld [smem:$0x3FFC];
	_ =	sdelay $0x3  }
0x9a: {  	_ =	strace s4  }
0x9b: {  	s4 =	sld [smem:$0x3FFD];
	_ =	sdelay $0x3  }
0x9c: {  	_ =	strace s4  }
0x9d: {  	_ =	strace $0x8FFFFFFF  }
0x9e: {  	s18 =	sld [smem:$0x3FDB];
	_ =	sdelay $0x1  }
0x9f: {  	s19 =	simm.s32 $_scs_section_size  }
0xa0: {  	s6 =	simm.s32 $_size__tile_overlayer_lowered;
	s7 =	simm.s32 $_tile_overlayer_lowered  }
0xa1: {  	s22 =	simm.s32 $0x1BFF;
	s21 =	sshll.u32 s7, $0x1;
	s4 =	sadd.s32 s19, s18  }
0xa2: {  	s8 =	simm.s32 $0x0;
	s20 =	sshll.u32 s6, $0x1;
	s6 =	sadd.s32 s21, s4  }
0xa3: {  	[timem:s8], [sflag:s22] =	dma.local [hbm:s6], s20  }
0xa4: {  	_ =	swait.ge [sflag:s22], s20  }
0xa5: {  	s5 =	ssub.s32 $0x0, s20;
	[sflag:s22] =	ssyncset.done $0x0  }
0xa6: {  	[sflag:s22] =	ssyncadd.s32 s5;
	_ =	sdelay $0x1  }
0xa7: {  	s23 =	simm.s32 $0x1B8B  }
0xa8: {  	_ =	swait.ge [sflag:s23], $0x1  }
0xa9: {  	[sflag:s23] =	ssyncset.done $0x0  }
0xaa: {  	s25 =	simm.s32 $0x1B8E;
	s24 =	sld [smem:$0x3FFE];
	[sflag:s23] =	ssyncadd.s32 $0xFFFFFFFF  }
0xab: {  	s26 =	simm.s32 $execute0_lowered;
	[smem:$0x3FD2] =	sst s25  }
0xac: {  	s6 =	sshll.u32 s26, $0x1;
	_ =	strace $0x80000046;
	[dreg:$0x1] =	wrdreg $0xFFFFFFFF  }
0xad: {  	s28 =	simm.s32 $_size_execute0_lowered;
	s4 =	sadd.s32 s4, s6;
	[dreg:$0x0] =	wrdreg $0x0  }
0xae: {  	s6 =	sshll.u32 s28, $0x1;
	[dreg:$0x2] =	wrdreg s4  }
0xaf: {  	[dreg:$0x3] =	wrdreg s6  }
0xb0: {  	[dreg:$0x4] =	wrdreg $0xC0  }
0xb1: {  	_ =	task [dreg:s8], $0x5FFFF  }
0xb2: {  	[dreg:$0x1] =	wrdreg $0xFFFFFFFF  }
0xb3: {  	[dreg:$0x0] =	wrdreg $0x60  }
0xb4: {  	[dreg:$0x2] =	wrdreg s16  }
0xb5: {  	[dreg:$0x3] =	wrdreg s15  }
0xb6: {  	[dreg:$0x4] =	wrdreg s24  }
0xb7: {  	[dreg:$0x5] =	wrdreg $0x9  }
0xb8: {  	_ =	task.clear_ibuf [dreg:s8], $0x6FFFF;
	_ =	strace $0x90000046  }
0xb9: {  	s29 =	simm.s32 $0x9;
	_ =	strace $0x80000048  }
0xba: {  	_ =	swait.ge [sflag:s29], $0x1  }
0xbb: {  	[sflag:s29] =	ssyncadd.s32 $0xFFFFFFFF  }
0xbc: {  	_ =	strace $0x90000048  }
0xbd: {  	_ =	sfence  }
0xbe: {  	s30 =	sld [smem:$0x0];
	_ =	sdelay $0x2  }
0xbf: {  	s31 =	sshll.u32 s1, $0xD;
	s1 =	sshrl.u32 s1, $0x2  }
0xc0: {  	s3 =	sand.u32 $0x4000, s31;
	s1 =	sadd.s32 s1, s30  }
0xc1: {  	s0 =	sor.u32 s3, s0;
	s1 =	sshll.u32 s1, $0x11  }
0xc2: {  	s0 =	sor.u32 s1, s0  }
0xc3: {  	s0 =	sadd.s32 $0x8F2B, s0  }
0xc4: {  	[sflag:s0] =	ssyncadd.remote.s32 $0x1  }
0xc5: {  	_ =	sfence.sel $0xFFFF  }
0xc6: {  	[dreg:$0x0] =	wrdreg $0xFFFFFFFF;
	(pc) =	sbr.abs _section_cstart, $3  }
0xc7: {  	[dreg:$0x1] =	wrdreg $0xFFFFFFFF  }
0xc8: {  	_ =	task.clear_ibuf [dreg:s8], $0x2FFFF;
	_ =	strace $0x9FFFFFFF  }
0xc9: {  	(tm) =	ssettm $0x7FFFFFFF  }
tec
execute0_lowered:
.L_overlay_start_1:
0x0: {  	(tag) =	ssettag $0x1  }
0x1: {  	s1 =	rddreg [dreg:$0x0];
	s2 =	srdreg.scid  }
0x2: {  	s4 =	rddreg [dreg:$0x1];
	s0 =	stileid.u32  }
0x3: {  	s8 =	rddreg [dreg:$0x2];
	s3 =	simm.s32 $0x0;
	s6 =	sand.u32 $0x1, s2  }
0x4: {  	s5 =	sshll.u32 s0, $0xA;
	s2 =	rddreg [dreg:$0x3];
	s7 =	sshll.u32 s6, $0x9  }
0x5: {  	[smem:$0x7FF] =	sst s3;
	s9 =	sor.u32 s7, s5  }
0x6: {  	_ =	strace $0x80000047;
	s10 =	ssub.s32 $0x2, s6;
	s5 =	sshrl.u32 s9, $0x3  }
0x7: {  	s6 =	simm.s32 $0x200;
	s5 =	sadd.s32 s4, s5;
	s4 =	simm.s32 $0x2  }
0x8: {  	[tilespmem:s3], [sflag:$0x2] =	stream.linear.gather [hbm4b:s5+s3], $0x200, $0x38;
	[tilespmem:$0x2200] =	vst v63  }
0x9: {  	s7 =	simm.s32 $0x1;
	s11 =	sshrl.u32 s10, $0x1;
	_ =	swait.ge [sflag:s4], $0x200  }
0xa: {  	s9 =	sshll.u32 s9, $0x1;
	s31 =	ssub.s32 s10, s11;
	[sflag:s4] =	ssyncset.done $0x0  }
0xb: {  	s8 =	sadd.s32 s9, s8;
	s9 =	smax.u32 s31, $0x1;
	[sflag:s4] =	ssyncadd.s32 $0xFFFFFE00  }
0xc: {  	[tilespmem:s6], [sflag:$0x1] =	stream.indirect.gather [hbm4b:s1+s6], $0x10, s3, s6, $0xb8;
	[tilespmem:$0x2200] =	vst v63  }
0xd: {  	p0 =	sne.s32 s9, $0x1;
	_ =	swait.ge [sflag:s7], $0x2000  }
.Ltmp0:
0xe: {  	[sflag:s7] =	ssyncset.done $0x0;
	(pc) =	sbr.rel @!p0 .LBB2_2-.Ltmp0, $4  }
0xf: {  	s8 =	sadd.s32 $0x2800, s8;
	[sflag:s7] =	ssyncadd.s32 $0xFFFFE000  }
0x10: {  	[hbm4b:s8+s3] =	stream.linear.scatter [tilespmem:s6], [sflag:$0x2], $0x2000, $0x38;
	[tilespmem:$0x2200] =	vst v63  }
0x11: {  	_ =	swait.ge [sflag:s4], $0x2000  }
0x12: {  	s9 =	sadd.s32 $0xFFFFFFFF, s9;
	[sflag:s4] =	ssyncset.done $0x0  }
.LBB2_1:
0x13: {  	p0 =	sne.s32 s9, $0x1;
	s9 =	sadd.s32 $0xFFFFFFFF, s9;
	[sflag:s4] =	ssyncadd.s32 $0xFFFFE000  }
0x14: {  	[tilespmem:s3], [sflag:$0x2] =	stream.linear.gather [hbm4b:s5+s3], $0x200, $0x38;
	[tilespmem:$0x2200] =	vst v63  }
0x15: {  	_ =	swait.ge [sflag:s4], $0x200  }
0x16: {  	[sflag:s4] =	ssyncset.done $0x0  }
0x17: {  	[sflag:s4] =	ssyncadd.s32 $0xFFFFFE00  }
0x18: {  	[tilespmem:s6], [sflag:$0x1] =	stream.indirect.gather [hbm4b:s1+s6], $0x10, s3, s6, $0xb8;
	[tilespmem:$0x2200] =	vst v63  }
0x19: {  	_ =	swait.ge [sflag:s7], $0x2000  }
.Ltmp1:
0x1a: {  	[sflag:s7] =	ssyncset.done $0x0;
	(pc) =	sbr.rel @p0 .LBB2_1-.Ltmp1, $4  }
0x1b: {  	[sflag:s7] =	ssyncadd.s32 $0xFFFFE000  }
0x1c: {  	[hbm4b:s8+s3] =	stream.linear.scatter [tilespmem:s6], [sflag:$0x2], $0x2000, $0x38;
	[tilespmem:$0x2200] =	vst v63  }
0x1d: {  	_ =	swait.ge [sflag:s4], $0x2000  }
0x1e: {  	[sflag:s4] =	ssyncset.done $0x0  }
.LBB2_2:
0x1f: {  	[sflag:s4] =	ssyncadd.s32 $0xFFFFE000  }
0x20: {  	_ =	sfence.sel $0x180000  }
0x21: {  	[bflag:$0x0] =	sbarrier.arrive $0xFFFF  }
0x22: {  	p0 =	sne.s32 s0, $0x0;
	_ =	strace $0x90000047  }
0x23: {  	s0 =	sadd.s32 @!p0 $0x100000, s2;
	[bflag:$0x2] =	sbarrier.arrive $0xFFFF  }
0x24: {  	[sflag:s0] =	ssyncadd.tile.s32 @!p0 $0x1;
	_ =	shalt  }
.Lfunc_end2:
_tile_overlayer_lowered:
.L_overlay_start_2:
0x25: {  	(tag) =	ssettag $0x2  }
0x26: {  	s0 =	rddreg [dreg:$0x0];
	s2 =	stileid.u32  }
0x27: {  	s1 =	rddreg [dreg:$0x1];
	p0 =	sne.s32 s2, $0x0  }
0x28: {  	s3 =	rddreg [dreg:$0x2];
	[bflag:$0x3] =	sbarrier.arrive $0xFFFF;
	s2 =	simm.s32 @!p0 $0x1C02  }
0x29: {  	[timem:s3], [sflag:s2] =	dma.local @!p0 [hbm:s0], s1  }
0x2a: {  	s0 =	simm.s32 @!p0 $0x2  }
0x2b: {  	_ =	swait.ge @!p0 [sflag:s0], s1  }
0x2c: {  	s1 =	ssub.s32 @!p0 $0x0, s1;
	[sflag:s0] =	ssyncset.done @!p0 $0x0  }
0x2d: {  	[sflag:s0] =	ssyncadd.s32 @!p0 s1  }
0x2e: {  	[bflag:$0x3] =	sbarrier.arrive $0xFFFF  }
0x2f: {  	_ =	shalt  }

// kernel: sparse-core-data-format-call.cloned.1.call-start
scs
called_computation_lowered:
.L_overlay_start_0:
0x0: {  	s2 =	sld [smem:$0x3FD9]  }
0x1: {  	s3 =	sld [smem:$0x3FFE];
	_ =	sdelay $0x1  }
0x2: {  	s1 =	srdreg.scid  }
0x3: {  	s0 =	sand.u32 $0x1, s1  }
0x4: {  	s15 =	sshll.u32 s0, $0xA;
	s2 =	sadd.s32 s3, s2  }
0x5: {  	s2 =	sadd.s32 s2, s15  }
0x6: {  	[smem:$0x3FBD] =	sst s2  }
0x7: {  	_ = 	snop  }
0x8: {  	s2 =	sld [smem:$0x3FD0];
	_ =	sdelay $0x2  }
0x9: {  	s16 =	simm.s32 $0xA;
	s4 =	simm.s32 $0x10  }
0xa: {  	[smem:s4], [sflag:s16] =	dma.local [hbm:s2], $0x1  }
0xb: {  	_ =	swait.eq [sflag:s16], $0x1  }
0xc: {  	[sflag:s16] =	ssyncset.done $0x0  }
0xd: {  	[sflag:s16] =	ssyncadd.s32 $0xFFFFFFFF  }
0xe: {  	s17 =	sld [smem:$0x10];
	(tm) =	ssettm $0x1  }
0xf: {  	s18 =	sld [smem:$0x3FFB];
	_ =	sdelay $0x3  }
0x10: {  	_ =	strace s18  }
0x11: {  	s3 =	sld [smem:$0x3FFC];
	_ =	sdelay $0x3  }
0x12: {  	_ =	strace s3  }
0x13: {  	s3 =	sld [smem:$0x3FFD];
	_ =	sdelay $0x3  }
0x14: {  	_ =	strace s3  }
0x15: {  	_ =	strace $0x8FFFFFFF  }
0x16: {  	s19 =	sld [smem:$0x3FDB];
	_ =	sdelay $0x1  }
0x17: {  	s20 =	simm.s32 $_scs_section_size  }
0x18: {  	s5 =	simm.s32 $_size__tile_overlayer_lowered;
	s6 =	simm.s32 $_tile_overlayer_lowered  }
0x19: {  	s23 =	simm.s32 $0x1BFF;
	s22 =	sshll.u32 s6, $0x1;
	s3 =	sadd.s32 s20, s19  }
0x1a: {  	s7 =	simm.s32 $0x0;
	s21 =	sshll.u32 s5, $0x1;
	s5 =	sadd.s32 s22, s3  }
0x1b: {  	[timem:s7], [sflag:s23] =	dma.local [hbm:s5], s21  }
0x1c: {  	_ =	swait.ge [sflag:s23], s21  }
0x1d: {  	s4 =	ssub.s32 $0x0, s21;
	[sflag:s23] =	ssyncset.done $0x0  }
0x1e: {  	[sflag:s23] =	ssyncadd.s32 s4;
	_ =	sdelay $0x1  }
0x1f: {  	s24 =	simm.s32 $0x1B8B  }
0x20: {  	_ =	swait.ge [sflag:s24], $0x1  }
0x21: {  	[sflag:s24] =	ssyncset.done $0x0  }
0x22: {  	s26 =	simm.s32 $0x1B8E;
	s25 =	sld [smem:$0x3FFE];
	[sflag:s24] =	ssyncadd.s32 $0xFFFFFFFF  }
0x23: {  	s27 =	simm.s32 $execute0_lowered;
	[smem:$0x3FD2] =	sst s26  }
0x24: {  	s5 =	sshll.u32 s27, $0x1;
	_ =	strace $0x8000004C;
	[dreg:$0x1] =	wrdreg $0xFFFFFFFF  }
0x25: {  	s28 =	simm.s32 $_size_execute0_lowered;
	s3 =	sadd.s32 s3, s5;
	[dreg:$0x0] =	wrdreg $0x0  }
0x26: {  	s5 =	sshll.u32 s28, $0x1;
	[dreg:$0x2] =	wrdreg s3  }
0x27: {  	[dreg:$0x3] =	wrdreg s5  }
0x28: {  	[dreg:$0x4] =	wrdreg $0xC0  }
0x29: {  	_ =	task [dreg:s7], $0x5FFFF  }
0x2a: {  	[dreg:$0x1] =	wrdreg $0xFFFFFFFF  }
0x2b: {  	[dreg:$0x0] =	wrdreg $0x60  }
0x2c: {  	[dreg:$0x2] =	wrdreg s25  }
0x2d: {  	[dreg:$0x3] =	wrdreg s17  }
0x2e: {  	[dreg:$0x4] =	wrdreg $0x9  }
0x2f: {  	_ =	task.clear_ibuf [dreg:s7], $0x5FFFF;
	_ =	strace $0x9000004C  }
0x30: {  	s29 =	simm.s32 $0x9;
	_ =	strace $0x8000004E  }
0x31: {  	_ =	swait.ge [sflag:s29], $0x1  }
0x32: {  	[sflag:s29] =	ssyncadd.s32 $0xFFFFFFFF  }
0x33: {  	_ =	strace $0x9000004E  }
0x34: {  	_ =	sfence  }
0x35: {  	s30 =	sld [smem:$0x0];
	_ =	sdelay $0x2  }
0x36: {  	s31 =	sshll.u32 s1, $0xD;
	s1 =	sshrl.u32 s1, $0x2  }
0x37: {  	s3 =	sand.u32 $0x4000, s31;
	s1 =	sadd.s32 s1, s30  }
0x38: {  	s0 =	sor.u32 s3, s0;
	s1 =	sshll.u32 s1, $0x11  }
0x39: {  	s0 =	sor.u32 s1, s0  }
0x3a: {  	s0 =	sadd.s32 $0x8F2B, s0  }
0x3b: {  	[sflag:s0] =	ssyncadd.remote.s32 $0x1  }
0x3c: {  	_ =	sfence.sel $0xFFFF  }
0x3d: {  	[dreg:$0x0] =	wrdreg $0xFFFFFFFF;
	(pc) =	sbr.abs _section_cstart, $3  }
0x3e: {  	[dreg:$0x1] =	wrdreg $0xFFFFFFFF  }
0x3f: {  	_ =	task.clear_ibuf [dreg:s7], $0x2FFFF;
	_ =	strace $0x9FFFFFFF  }
0x40: {  	(tm) =	ssettm $0x7FFFFFFF  }
0x41: {  	_ =	shalt  }
tec
execute0_lowered:
.L_overlay_start_1:
0x0: {  	(tag) =	ssettag $0x1  }
0x1: {  	s4 =	rddreg [dreg:$0x0]  }
0x2: {  	s0 =	srdreg.scid;
	s2 =	rddreg [dreg:$0x1]  }
0x3: {  	s1 =	stileid.u32;
	s5 =	simm.s32 $0x1;
	s0 =	sshll.u32 s0, $0x4  }
0x4: {  	s7 =	simm.s32 $0x2;
	s11 =	simm.s32 $0x0;
	s3 =	sand.u32 $0x10, s0  }
.Ltmp0:
0x5: {  	p0 =	por $0x0, $0x0;
	s3 =	sor.u32 s1, s3;
	(pc) =	sbr.rel .LBB1_1-.Ltmp0, $4  }
0x6: {  	s8 =	simm.s32 $0x7A1400;
	s10 =	simm.s32 $0x0;
	s3 =	sshll.u32 s3, $0x7  }
0x7: {  	s0 =	rddreg [dreg:$0x2];
	_ =	strace $0x8000004D;
	s6 =	ssub.s32 $0xF4200, s3  }
0x8: {  	s4 =	sadd.s32 $0x2800, s4;
	[sflag:s5] =	ssyncpa.u1 $0x0;
	s6 =	sshrl.u32 s6, $0xC  }
0x9: {  	[sflag:s7] =	ssyncpa.u1 $0x0;
	s9 =	smov.u32 s3;
	s7 =	sadd.s32 $0x2, s6  }
.LBB1_5:
0xa: {  	s13 =	sadd.s32 $0x1000, s9  }
0xb: {  	p2 =	sgt.s32 s13, $0xF423F  }
0xc: {  	s13 =	smov.u32 @p2 s3;
	p2 =	sne.s32 s10, s7  }
.Ltmp1:
0xd: {  	p1 =	slt.u32 s10, $0x2;
	(pc) =	sbr.rel @!p2 .LBB1_6-.Ltmp1, $4  }
0xe: {  	s12 =	simm.s32 @!p1 $0x2  }
0xf: {  	s14 =	sadd.s32 $0x1, s10;
	_ =	swait.ge @!p1 [sflag:s12], $0x800  }
0x10: {  	s11 =	smov.u32 s9;
	p0 =	por !p0, !p0;
	[sflag:s12] =	ssyncset.done @!p1 $0x0  }
0x11: {  	s10 =	smov.u32 s14;
	s9 =	smov.u32 s13;
	[sflag:s12] =	ssyncadd.s32 @!p1 $0xFFFFF800  }
.LBB1_1:
0x12: {  	p1 =	sgt.u32 s10, s6  }
0x13: {  	s13 =	smov.u32 s9;
	p2 =	sgt.s32 @!p1 s9, $0xF41C0  }
0x14: {  	s12 =	sand.u32 @!p1 $0x1FFFFFF, s9;
	s14 =	sshra.s32 @!p1 s9, $0x1F;
	p2 =	por !p2, p1  }
0x15: {  	s15 =	smulhi.u32 @!p1 $0x218DEF5, s12;
	s14 =	sand.u32 @!p1 s14, s9;
	s13 =	simm.s32 @p2 $0xF41C0  }
0x16: {  	s13 =	ssub.s32 @!p1 s13, s14  }
0x17: {  	s14 =	sshrl.u32 @!p1 s15, $0xD;
	s13 =	sadd.s32 @!p1 $0xFFF0BE40, s13  }
0x18: {  	s15 =	sxor.u32 @!p1 $0xFFFFFFFF, s10;
	s14 =	smul.u32 @!p1 $0xF4240, s14;
	s16 =	sshll.u32 @!p1 s13, $0x6  }
0x19: {  	s15 =	sshll.u32 @!p1 s15, $0xB;
	p2 =	sgt.s32 @!p1 s13, $0x7F;
	s13 =	ssub.s32 @!p1 $0x2000, s16  }
0x1a: {  	s12 =	ssub.s32 @!p1 s12, s14;
	p2 =	por !p2, p1;
	s14 =	sand.u32 @!p1 $0x800, s15  }
0x1b: {  	s15 =	simm.s32 @!p1 $0x10;
	s13 =	sshrl.u32 @!p1 s13, $0x2;
	s12 =	sshll.u32 @!p1 s12, $0x4  }
0x1c: {  	s16 =	simm.s32 @!p1 $0x80;
	s13 =	simm.s32 @!p2 $0x0;
	s12 =	sadd.s32 @!p1 s4, s12  }
0x1d: {  	[tilespmem:s14], [sflag:$0x1] =	stream.strided.gather @!p1 [hbm4b:s12+s15], s13, s16, s15, $0x38;
	[tilespmem:$0x2020] =	vst v63  }
0x1e: {  	p1 =	seq.s32 s10, $0x0  }
0x1f: {  	p2 =	sge.u32 @!p1 s10, s7  }
0x20: {  	p1 =	por p1, p2  }
.Ltmp2:
0x21: {  	_ = 	snop;
	(pc) =	sbr.rel @p1 .LBB1_5-.Ltmp2, $1  }
0x22: {  	_ =	sdelay $0x3  }
0x23: {  	p1 =	sgt.s32 s11, $0xF41C0;
	s12 =	smov.u32 s11;
	s13 =	sshra.s32 s11, $0x1F  }
0x24: {  	s12 =	simm.s32 @!p1 $0xF41C0;
	s13 =	sand.u32 s13, s11  }
0x25: {  	s12 =	ssub.s32 s12, s13  }
0x26: {  	s12 =	sadd.s32 $0xFFF0BE40, s12  }
0x27: {  	s29 =	sshll.u32 s12, $0x6  }
0x28: {  	s13 =	ssub.s32 $0x2000, s29  }
0x29: {  	p1 =	sgt.s32 s12, $0x7F;
	s12 =	sshrl.u32 s13, $0x2  }
0x2a: {  	s13 =	simm.s32 $0x1;
	s12 =	simm.s32 @p1 $0x0  }
0x2b: {  	s13 =	simm.s32 @!p0 $0x0;
	_ =	swait.ge [sflag:s5], s12  }
0x2c: {  	s14 =	sshll.u32 s13, $0xB;
	s12 =	ssub.s32 $0x0, s12;
	[sflag:s5] =	ssyncset.done $0x0  }
0x2d: {  	s15 =	sor.u32 $0x40, s14;
	[sflag:s5] =	ssyncadd.s32 s12  }
0x2e: {  	v1 =	vld [tilespmem:s15+$0x30]  }
0x2f: {  	s30 =	smul.u32 $0x2040, s13;
	v4 =	vld [tilespmem:s15+$0xFFFFFFD0]  }
0x30: {  	v5 =	vld [tilespmem:s15+$0xFFFFFFE0]  }
0x31: {  	s31 =	sand.u32 $0x1, s10;
	s12 =	sshrl.u32 s30, $0x2;
	v2 =	vld [tilespmem:s15+$0xFFFFFFF0]  }
0x32: {  	s13 =	smul.u32 $0x2040, s31;
	s12 =	sor.u32 $0x1007, s12;
	v3 =	vld [tilespmem:s15+$0x0]  }
0x33: {  	v0 =	vld [tilespmem:s15+$0x10];
	[tilespmem:s12+$0x0 ss:$0x81] =	vst.msk $0xffff, v1  }
0x34: {  	s13 =	sshrl.u32 s13, $0x2;
	[tilespmem:s12+$0xFFFFFFFA ss:$0x81] =	vst.msk $0xffff, v4;
	v4 =	vld [tilespmem:s15+$0x20]  }
0x35: {  	s14 =	simm.s32 $0x0;
	s13 =	sor.u32 $0x1000, s13;
	v1 =	vld [tilespmem:s15+$0xFFFFFFC0];
	[tilespmem:s12+$0xFFFFFFFB ss:$0x81] =	vst.msk $0xffff, v5;
	s15 =	sadd.s32 $0x80, s15  }
.LBB1_3:
0x36: {  	v5 =	vld [tilespmem:s15+$0x30];
	s14 =	sadd.s32 $0x8, s14;
	[tilespmem:s12+$0xFFFFFFFC ss:$0x81] =	vst.msk $0xffff, v2  }
0x37: {  	v6 =	vld [tilespmem:s15+$0xFFFFFFD0];
	p1 =	slt.u32 s14, $0x78;
	[tilespmem:s12+$0xFFFFFFFD ss:$0x81] =	vst.msk $0xffff, v3  }
0x38: {  	v7 =	vld [tilespmem:s15+$0xFFFFFFE0];
	[tilespmem:s12+$0xFFFFFFFE ss:$0x81] =	vst.msk $0xffff, v0  }
.Ltmp3:
0x39: {  	v2 =	vld [tilespmem:s15+$0xFFFFFFF0];
	[tilespmem:s12+$0xFFFFFFFF ss:$0x81] =	vst.msk $0xffff, v4;
	(pc) =	sbr.rel @p1 .LBB1_3-.Ltmp3, $4  }
0x3a: {  	v3 =	vld [tilespmem:s15+$0x0];
	[tilespmem:s12+$0xFFFFFFF9 ss:$0x81] =	vst.msk $0xffff, v1;
	s12 =	sadd.s32 $0x8, s12  }
0x3b: {  	v0 =	vld [tilespmem:s15+$0x10];
	[tilespmem:s12+$0x0 ss:$0x81] =	vst.msk $0xffff, v5  }
0x3c: {  	[tilespmem:s12+$0xFFFFFFFA ss:$0x81] =	vst.msk $0xffff, v6;
	v4 =	vld [tilespmem:s15+$0x20]  }
0x3d: {  	v1 =	vld [tilespmem:s15+$0xFFFFFFC0];
	[tilespmem:s12+$0xFFFFFFFB ss:$0x81] =	vst.msk $0xffff, v7;
	s15 =	sadd.s32 $0x80, s15  }
0x3e: {  	s14 =	sshll.u32 s11, $0x3  }
0x3f: {  	s30 =	sand.u32 $0x7F, s11;
	s14 =	sand.u32 $0xFFFFFC00, s14  }
0x40: {  	s11 =	sor.u32 s30, s14  }
0x41: {  	s15 =	smulhi.u32 $0x218D6287, s11;
	_ =	sdelay $0x1  }
0x42: {  	s14 =	smulhi.u32 $0x218D6287, s14;
	s15 =	sshrl.u32 s15, $0x11  }
0x43: {  	s15 =	smul.u32 $0xF4280, s15  }
0x44: {  	[tilespmem:s12+$0xFFFFFFFC ss:$0x81] =	vst.msk $0xffff, v2;
	s14 =	sshrl.u32 s14, $0x11  }
.Ltmp4:
0x45: {  	[tilespmem:s12+$0xFFFFFFFD ss:$0x81] =	vst.msk $0xffff, v3;
	s14 =	sand.u32 $0xF, s14;
	s11 =	ssub.s32 s11, s15;
	(pc) =	sbr.rel .LBB1_5-.Ltmp4, $4  }
0x46: {  	[tilespmem:s12+$0xFFFFFFFE ss:$0x81] =	vst.msk $0xffff, v0;
	s14 =	smul.u32 $0x1E850, s14;
	s15 =	sshrl.u32 s11, $0x3;
	s11 =	sand.u32 $0x7, s11  }
0x47: {  	[tilespmem:s12+$0xFFFFFFFF ss:$0x81] =	vst.msk $0xffff, v4;
	s15 =	sadd.s32 s2, s15;
	s11 =	sshll.u32 s11, $0x12  }
0x48: {  	[tilespmem:s12+$0xFFFFFFF9 ss:$0x81] =	vst.msk $0xffff, v1;
	s31 =	sadd.s32 s14, s15;
	s11 =	sor.u32 $0x400, s11  }
0x49: {  	[hbm4b:s31+s11] =	stream.strided.scatter [tilespmem:s13], [sflag:$0x2], $0x800, s8, s11, $0x20;
	[tilespmem:$0x2020] =	vst v63  }
.LBB1_6:
0x4a: {  	_ =	sfence.sel $0x180000  }
0x4b: {  	s2 =	simm.s32 $0x1;
	[bflag:$0x0] =	sbarrier.arrive $0xFFFF  }
0x4c: {  	s31 =	simm.s32 $0x2;
	[sflag:s2] =	ssyncpa.u1 $0x1  }
0x4d: {  	[sflag:s31] =	ssyncpa.u1 $0x1  }
0x4e: {  	p0 =	sne.s32 s1, $0x0;
	_ =	strace $0x9000004D  }
0x4f: {  	s0 =	sadd.s32 @!p0 $0x100000, s0;
	[bflag:$0x2] =	sbarrier.arrive $0xFFFF  }
0x50: {  	[sflag:s0] =	ssyncadd.tile.s32 @!p0 $0x1;
	_ =	shalt  }
.Lfunc_end1:
_tile_overlayer_lowered:
.L_overlay_start_2:
0x51: {  	(tag) =	ssettag $0x2  }
0x52: {  	s0 =	rddreg [dreg:$0x0];
	s2 =	stileid.u32  }
0x53: {  	s1 =	rddreg [dreg:$0x1];
	p0 =	sne.s32 s2, $0x0  }
0x54: {  	s3 =	rddreg [dreg:$0x2];
	[bflag:$0x3] =	sbarrier.arrive $0xFFFF;
	s2 =	simm.s32 @!p0 $0x1C01  }
0x55: {  	[timem:s3], [sflag:s2] =	dma.local @!p0 [hbm:s0], s1  }
0x56: {  	s0 =	simm.s32 @!p0 $0x1  }
0x57: {  	_ =	swait.ge @!p0 [sflag:s0], s1  }
0x58: {  	s1 =	ssub.s32 @!p0 $0x0, s1;
	[sflag:s0] =	ssyncset.done @!p0 $0x0  }
0x59: {  	[sflag:s0] =	ssyncadd.s32 @!p0 s1  }
0x5a: {  	[bflag:$0x3] =	sbarrier.arrive $0xFFFF  }
0x5b: {  	_ =	shalt  }

</sc_bundles>
